<compile_context>
chip_gen: v7x
topology: tpu7x:2x2x1
jax: 0.10.2.dev20260603
libtpu: 0.0.44.dev20260713+nightly
codegen_flags: <defaults>
</compile_context>

<pallas_src>
import jax
import jax.numpy as jnp
from jax import lax
from jax.experimental import pallas as pl
from jax.experimental.pallas import tpu as pltpu
from jax.experimental.pallas import tpu_sc as plsc

B = 16384
L = 50
D = 32

NC = 2
NS = 16
NW = NC * NS
BW = B // NW
RW = BW * L
SZ = 128
NSUB = RW // SZ
NBUF = 8
UID_SUB = BW // SZ


def _sc_body(uid_hbm, hist_hbm, sidx_hbm, wu_hbm, wi_hbm, uid_out, sums_out,
             uidx, hidx, sidx, gbufs, zbuf, acc, gsems):
    c = lax.axis_index("c")
    s = lax.axis_index("s")
    w = c * NS + s
    base_row = s * BW

    pltpu.sync_copy(uid_hbm.at[pl.ds(w * UID_SUB, UID_SUB)], uidx)
    pltpu.sync_copy(hist_hbm.at[pl.ds(w * NSUB, NSUB)], hidx)
    pltpu.sync_copy(sidx_hbm.at[pl.ds(w * NSUB, NSUB)], sidx)

    zf = jnp.zeros((16,), jnp.float32)

    def zero(r, _):
        zbuf[r, pl.ds(0, 16)] = zf
        zbuf[r, pl.ds(16, 16)] = zf
        return 0

    lax.fori_loop(0, SZ, zero, 0)
    for k in range(BW // SZ):
        pltpu.sync_copy(zbuf, acc.at[pl.ds(base_row + k * SZ, SZ)])

    for k in range(UID_SUB):
        b = k % NBUF
        pltpu.async_copy(wu_hbm.at[uidx.at[k]], gbufs[b], gsems[b])
        if k >= 1:
            pb = (k - 1) % NBUF
            pltpu.make_async_copy(wu_hbm.at[pl.ds(0, SZ)], gbufs[pb],
                                  gsems[pb]).wait()
            pltpu.sync_copy(gbufs[pb],
                            uid_out.at[pl.ds(w * BW + (k - 1) * SZ, SZ)])
    lb = (UID_SUB - 1) % NBUF
    pltpu.make_async_copy(wu_hbm.at[pl.ds(0, SZ)], gbufs[lb], gsems[lb]).wait()
    pltpu.sync_copy(gbufs[lb],
                    uid_out.at[pl.ds(w * BW + (UID_SUB - 1) * SZ, SZ)])

    for b in range(NBUF):
        pltpu.async_copy(wi_hbm.at[hidx.at[b]], gbufs[b], gsems[b])

    def step(ti, _):
        for b in range(NBUF):
            t = ti * NBUF + b
            pltpu.make_async_copy(wi_hbm.at[pl.ds(0, SZ)], gbufs[b],
                                  gsems[b]).wait()
            pltpu.sync_copy(gbufs[b], acc.at[sidx.at[t]], add=True)
            nt = t + NBUF

            @pl.when(nt < NSUB)
            def _():
                pltpu.async_copy(wi_hbm.at[hidx.at[nt]], gbufs[b], gsems[b])
        return 0

    lax.fori_loop(0, NSUB // NBUF, step, 0)

    pltpu.sync_copy(zbuf, acc.at[sidx.at[0]], add=True)
    pltpu.sync_copy(zbuf, acc.at[sidx.at[0]], add=True)
    pltpu.sync_copy(zbuf, acc.at[sidx.at[0]], add=True)

    for k in range(BW // SZ):
        pltpu.sync_copy(acc.at[pl.ds(base_row + k * SZ, SZ)], gbufs[k])
        pltpu.sync_copy(gbufs[k],
                        sums_out.at[pl.ds(w * BW + k * SZ, SZ)])


def _sc_lookup(uid2, hist2, sidx2, W_uid, W_item):
    mesh = plsc.VectorSubcoreMesh(core_axis_name="c", subcore_axis_name="s")
    return pl.kernel(
        _sc_body,
        out_type=(
            jax.ShapeDtypeStruct((B, D), jnp.float32),
            jax.ShapeDtypeStruct((B, D), jnp.float32),
        ),
        mesh=mesh,
        compiler_params=pltpu.CompilerParams(use_tc_tiling_on_sc=False),
        scratch_types=[
            pltpu.VMEM((UID_SUB, SZ), jnp.int32),
            pltpu.VMEM((NSUB, SZ), jnp.int32),
            pltpu.VMEM((NSUB, SZ), jnp.int32),
            [pltpu.VMEM((SZ, D), jnp.float32) for _ in range(NBUF)],
            pltpu.VMEM((SZ, D), jnp.float32),
            pltpu.VMEM_SHARED((NS * BW, D), jnp.float32),
            [pltpu.SemaphoreType.DMA for _ in range(NBUF)],
        ],
    )(uid2, hist2, sidx2, W_uid, W_item)


def _tc_body(hist_ref, sums_ref, w0_ref, out_ref):
    hist = hist_ref[...]
    cnt = jnp.sum((hist != 0).astype(jnp.float32), axis=1, keepdims=True)
    w0 = w0_ref[...]
    corrected = sums_ref[...] - (float(L) - cnt) * w0
    pooled = corrected / jnp.maximum(cnt, 1.0)
    out_ref[...] = jnp.where(cnt > 0.0, pooled, 0.0)


def _tc_combine(hist_item, sums, w0):
    blk = 2048
    return pl.pallas_call(
        _tc_body,
        grid=(B // blk,),
        in_specs=[
            pl.BlockSpec((blk, L), lambda i: (i, 0)),
            pl.BlockSpec((blk, D), lambda i: (i, 0)),
            pl.BlockSpec((1, D), lambda i: (0, 0)),
        ],
        out_specs=pl.BlockSpec((blk, D), lambda i: (i, 0)),
        out_shape=jax.ShapeDtypeStruct((B, D), jnp.float32),
    )(hist_item, sums, w0)


def kernel(uid, hist_item, W_uid, W_item):
    uid2 = uid.astype(jnp.int32).reshape(NW * UID_SUB, SZ)
    hist2 = hist_item.astype(jnp.int32).reshape(NW * NSUB, SZ)
    sidx2 = ((lax.iota(jnp.int32, B * L) // L) % (NS * BW)).reshape(
        NW * NSUB, SZ)
    uid_emb, sums = _sc_lookup(uid2, hist2, sidx2, W_uid, W_item)
    w0 = lax.slice(W_item, (0, 0), (1, D))
    pooled = _tc_combine(hist_item, sums, w0)
    return (uid_emb, pooled)

# --- scband reference (transcript-rebuilt; emitter-appended) ---
"""Pipeline reference for scband-torch-rec-embeddings-57595511439989 (READ-ONLY COPY).

The authoritative reference and input builder live on the scoring server;
editing this copy changes nothing except your own understanding.
"""

import jax, jax.numpy as jnp
import numpy as np

B = 16384
L = 50
VOCAB = 1000000
D = 32


def setup_inputs(seed: int = 0) -> dict:
    key = jax.random.key(seed)
    k1, k2, k3, k4 = jax.random.split(key, 4)
    uid = jax.random.randint(k1, (B,), 0, VOCAB, dtype=jnp.int64 if jax.config.jax_enable_x64 else jnp.int32)
    hist_item = jax.random.randint(k2, (B, L), 0, VOCAB, dtype=jnp.int64 if jax.config.jax_enable_x64 else jnp.int32)
    # TorchRec default 'uniform' init: U(-sqrt(1/num_embeddings), sqrt(1/num_embeddings))
    bound = float(np.sqrt(1.0 / VOCAB))
    W_uid = jax.random.uniform(k3, (VOCAB, D), minval=-bound, maxval=bound, dtype=jnp.float32)
    W_item = jax.random.uniform(k4, (VOCAB, D), minval=-bound, maxval=bound, dtype=jnp.float32)
    return {"uid": uid, "hist_item": hist_item, "W_uid": W_uid, "W_item": W_item}


def reference(uid, hist_item, W_uid, W_item):
    padding_idx = 0
    # Unpooled scalar feature 'uid': [B] -> [B, D] (EmbeddingCollection lookup)
    uid_emb = jnp.take(W_uid, uid, axis=0)
    # Pooled feature 'hist_item': [B, L] -> [B, D] with mean pooling,
    # excluding padding_idx entries (EmbeddingBagCollection with mean pooling
    # over the jagged bag built by masking out padding ids).
    mask = (hist_item != padding_idx)
    emb = jnp.take(W_item, hist_item, axis=0)  # [B, L, D]
    emb = emb * mask[..., None].astype(emb.dtype)
    counts = mask.sum(axis=1).astype(emb.dtype)  # [B]
    summed = emb.sum(axis=1)  # [B, D]
    pooled = summed / jnp.maximum(counts, 1.0)[:, None]
    pooled = jnp.where((counts > 0)[:, None], pooled, jnp.zeros_like(pooled))
    return (uid_emb, pooled)

if __name__ == "__main__":
    import jax
    _d = setup_inputs()
    print(jax.jit(kernel)(*tuple(_d.values())))

</pallas_src>

<mosaic_0001>
#map = affine_map<(d0, d1) -> (0, 0)>
module attributes {stable_mosaic.version = 14 : i64} {
  func.func @_sc_body(%arg0: i32, %arg1: i32, %arg2: memref<128x128xi32, #tpu.memory_space<hbm>>, %arg3: memref<6400x128xi32, #tpu.memory_space<hbm>>, %arg4: memref<6400x128xi32, #tpu.memory_space<hbm>>, %arg5: memref<1000000x32xf32, #tpu.memory_space<hbm>>, %arg6: memref<1000000x32xf32, #tpu.memory_space<hbm>>, %arg7: memref<16384x32xf32, #tpu.memory_space<hbm>>, %arg8: memref<16384x32xf32, #tpu.memory_space<hbm>>, %arg9: memref<4x128xi32, #tpu.memory_space<vmem>>, %arg10: memref<200x128xi32, #tpu.memory_space<vmem>>, %arg11: memref<200x128xi32, #tpu.memory_space<vmem>>, %arg12: memref<128x32xf32, #tpu.memory_space<vmem>>, %arg13: memref<128x32xf32, #tpu.memory_space<vmem>>, %arg14: memref<128x32xf32, #tpu.memory_space<vmem>>, %arg15: memref<128x32xf32, #tpu.memory_space<vmem>>, %arg16: memref<128x32xf32, #tpu.memory_space<vmem>>, %arg17: memref<128x32xf32, #tpu.memory_space<vmem>>, %arg18: memref<128x32xf32, #tpu.memory_space<vmem>>, %arg19: memref<128x32xf32, #tpu.memory_space<vmem>>, %arg20: memref<128x32xf32, #tpu.memory_space<vmem>>, %arg21: memref<8192x32xf32, #tpu.memory_space<vmem_shared>>, %arg22: memref<!tpu.dma_semaphore, #tpu.memory_space<semaphore_mem>>, %arg23: memref<!tpu.dma_semaphore, #tpu.memory_space<semaphore_mem>>, %arg24: memref<!tpu.dma_semaphore, #tpu.memory_space<semaphore_mem>>, %arg25: memref<!tpu.dma_semaphore, #tpu.memory_space<semaphore_mem>>, %arg26: memref<!tpu.dma_semaphore, #tpu.memory_space<semaphore_mem>>, %arg27: memref<!tpu.dma_semaphore, #tpu.memory_space<semaphore_mem>>, %arg28: memref<!tpu.dma_semaphore, #tpu.memory_space<semaphore_mem>>, %arg29: memref<!tpu.dma_semaphore, #tpu.memory_space<semaphore_mem>>) attributes {dimension_semantics = [#tpu.dimension_semantics<core_parallel>, #tpu.dimension_semantics<subcore_parallel>], iteration_bounds = array<i64: 2, 16>, scalar_prefetch = 0 : i64, scratch_operands = 21 : i64, tpu.core_type = #tpu.core_type<sc_vector_subcore>, window_params = [{transform_indices = #map}, {transform_indices = #map}, {transform_indices = #map}, {transform_indices = #map}, {transform_indices = #map}, {transform_indices = #map}, {transform_indices = #map}]} {
    %mul3A = arith.constant 16 : i32
    %mul3A_0 = arith.muli %arg0, %mul3A : i32
    %add3A = arith.addi %mul3A_0, %arg1 : i32
    %mul3A_1 = arith.constant 512 : i32
    %mul3A_2 = arith.muli %arg1, %mul3A_1 : i32
    %mul3A_3 = arith.constant 4 : i32
    %mul3A_4 = arith.muli %add3A, %mul3A_3 : i32
    "tpu.region"() ({
      %run_scoped3A_179 = tpu.sem_alloc : memref<!tpu.dma_semaphore, #tpu.memory_space<semaphore_mem>>
      %dma_start3A_180 = arith.constant 0 : i32
      %dma_start3A_181 = tpu.memref_slice %arg2[%mul3A_4, %dma_start3A_180] : memref<128x128xi32, #tpu.memory_space<hbm>> -> memref<4x128xi32, #tpu.memory_space<hbm>>
      %dma_start3A_182 = arith.constant 0 : i32
      %dma_start3A_183 = tpu.memref_slice %arg2[%mul3A_4, %dma_start3A_182] : memref<128x128xi32, #tpu.memory_space<hbm>> -> memref<4x128xi32, #tpu.memory_space<hbm>>
      tpu.enqueue_dma source(%dma_start3A_183 : memref<4x128xi32, #tpu.memory_space<hbm>>) target(%arg9 : memref<4x128xi32, #tpu.memory_space<vmem>>) target_semaphore(%run_scoped3A_179 : memref<!tpu.dma_semaphore, #tpu.memory_space<semaphore_mem>>)
      %dma_wait3A_184 = arith.constant 0 : i32
      %dma_wait3A_185 = tpu.memref_slice %arg2[%mul3A_4, %dma_wait3A_184] : memref<128x128xi32, #tpu.memory_space<hbm>> -> memref<4x128xi32, #tpu.memory_space<hbm>>
      %dma_wait3A_186 = arith.constant 0 : i32
      %dma_wait3A_187 = tpu.memref_slice %arg2[%mul3A_4, %dma_wait3A_186] : memref<128x128xi32, #tpu.memory_space<hbm>> -> memref<4x128xi32, #tpu.memory_space<hbm>>
      tpu.wait_dma2 semaphore(%run_scoped3A_179 : memref<!tpu.dma_semaphore, #tpu.memory_space<semaphore_mem>>) src(%dma_wait3A_187 : memref<4x128xi32, #tpu.memory_space<hbm>>) dst(%arg9 : memref<4x128xi32, #tpu.memory_space<vmem>>)
      tpu.yield
    }) : () -> ()
    %mul3A_5 = arith.constant 200 : i32
    %mul3A_6 = arith.muli %add3A, %mul3A_5 : i32
    "tpu.region"() ({
      %run_scoped3A_179 = tpu.sem_alloc : memref<!tpu.dma_semaphore, #tpu.memory_space<semaphore_mem>>
      %dma_start3A_180 = arith.constant 0 : i32
      %dma_start3A_181 = tpu.memref_slice %arg3[%mul3A_6, %dma_start3A_180] : memref<6400x128xi32, #tpu.memory_space<hbm>> -> memref<200x128xi32, #tpu.memory_space<hbm>>
      %dma_start3A_182 = arith.constant 0 : i32
      %dma_start3A_183 = tpu.memref_slice %arg3[%mul3A_6, %dma_start3A_182] : memref<6400x128xi32, #tpu.memory_space<hbm>> -> memref<200x128xi32, #tpu.memory_space<hbm>>
      tpu.enqueue_dma source(%dma_start3A_183 : memref<200x128xi32, #tpu.memory_space<hbm>>) target(%arg10 : memref<200x128xi32, #tpu.memory_space<vmem>>) target_semaphore(%run_scoped3A_179 : memref<!tpu.dma_semaphore, #tpu.memory_space<semaphore_mem>>)
      %dma_wait3A_184 = arith.constant 0 : i32
      %dma_wait3A_185 = tpu.memref_slice %arg3[%mul3A_6, %dma_wait3A_184] : memref<6400x128xi32, #tpu.memory_space<hbm>> -> memref<200x128xi32, #tpu.memory_space<hbm>>
      %dma_wait3A_186 = arith.constant 0 : i32
      %dma_wait3A_187 = tpu.memref_slice %arg3[%mul3A_6, %dma_wait3A_186] : memref<6400x128xi32, #tpu.memory_space<hbm>> -> memref<200x128xi32, #tpu.memory_space<hbm>>
      tpu.wait_dma2 semaphore(%run_scoped3A_179 : memref<!tpu.dma_semaphore, #tpu.memory_space<semaphore_mem>>) src(%dma_wait3A_187 : memref<200x128xi32, #tpu.memory_space<hbm>>) dst(%arg10 : memref<200x128xi32, #tpu.memory_space<vmem>>)
      tpu.yield
    }) : () -> ()
    %mul3A_7 = arith.constant 200 : i32
    %mul3A_8 = arith.muli %add3A, %mul3A_7 : i32
    "tpu.region"() ({
      %run_scoped3A_179 = tpu.sem_alloc : memref<!tpu.dma_semaphore, #tpu.memory_space<semaphore_mem>>
      %dma_start3A_180 = arith.constant 0 : i32
      %dma_start3A_181 = tpu.memref_slice %arg4[%mul3A_8, %dma_start3A_180] : memref<6400x128xi32, #tpu.memory_space<hbm>> -> memref<200x128xi32, #tpu.memory_space<hbm>>
      %dma_start3A_182 = arith.constant 0 : i32
      %dma_start3A_183 = tpu.memref_slice %arg4[%mul3A_8, %dma_start3A_182] : memref<6400x128xi32, #tpu.memory_space<hbm>> -> memref<200x128xi32, #tpu.memory_space<hbm>>
      tpu.enqueue_dma source(%dma_start3A_183 : memref<200x128xi32, #tpu.memory_space<hbm>>) target(%arg11 : memref<200x128xi32, #tpu.memory_space<vmem>>) target_semaphore(%run_scoped3A_179 : memref<!tpu.dma_semaphore, #tpu.memory_space<semaphore_mem>>)
      %dma_wait3A_184 = arith.constant 0 : i32
      %dma_wait3A_185 = tpu.memref_slice %arg4[%mul3A_8, %dma_wait3A_184] : memref<6400x128xi32, #tpu.memory_space<hbm>> -> memref<200x128xi32, #tpu.memory_space<hbm>>
      %dma_wait3A_186 = arith.constant 0 : i32
      %dma_wait3A_187 = tpu.memref_slice %arg4[%mul3A_8, %dma_wait3A_186] : memref<6400x128xi32, #tpu.memory_space<hbm>> -> memref<200x128xi32, #tpu.memory_space<hbm>>
      tpu.wait_dma2 semaphore(%run_scoped3A_179 : memref<!tpu.dma_semaphore, #tpu.memory_space<semaphore_mem>>) src(%dma_wait3A_187 : memref<200x128xi32, #tpu.memory_space<hbm>>) dst(%arg11 : memref<200x128xi32, #tpu.memory_space<vmem>>)
      tpu.yield
    }) : () -> ()
    %broadcast_in_dim3A = arith.constant 0.000000e+00 : f32
    %broadcast_in_dim3A_9 = vector.broadcast %broadcast_in_dim3A : f32 to vector<16xf32>
    %scan3A = arith.constant 0 : i32
    %scan3A_10 = arith.constant 0 : i32
    %scan3A_11 = arith.constant 128 : i32
    %scan3A_12 = arith.addi %scan3A_10, %scan3A_11 : i32
    %scan3A_13 = arith.constant 1 : i32
    %scan3A_14 = scf.for %scan3A_179 = %scan3A_10 to %scan3A_12 step %scan3A_13 iter_args(%scan3A_180 = %scan3A) -> (i32)  : i32 {
      %swap3A = arith.index_cast %scan3A_179 : i32 to index
      %swap3A_181 = arith.constant 0 : index
      %swap3A_182 = tpu.vector_load %arg20[%swap3A, %swap3A_181] {strides = array<i32>} : memref<128x32xf32, #tpu.memory_space<vmem>>, vector<1x16xf32>,
      %swap3A_183 = vector.shape_cast %swap3A_182 : vector<1x16xf32> to vector<16xf32>
      %swap3A_184 = vector.shape_cast %broadcast_in_dim3A_9 : vector<16xf32> to vector<1x16xf32>
      tpu.vector_store %arg20[%swap3A, %swap3A_181], %swap3A_184 {strides = array<i32>} : memref<128x32xf32, #tpu.memory_space<vmem>>, vector<1x16xf32>,
      %swap3A_185 = arith.index_cast %scan3A_179 : i32 to index
      %swap3A_186 = arith.constant 16 : index
      %swap3A_187 = tpu.vector_load %arg20[%swap3A_185, %swap3A_186] {strides = array<i32>} : memref<128x32xf32, #tpu.memory_space<vmem>>, vector<1x16xf32>,
      %swap3A_188 = vector.shape_cast %swap3A_187 : vector<1x16xf32> to vector<16xf32>
      %swap3A_189 = vector.shape_cast %broadcast_in_dim3A_9 : vector<16xf32> to vector<1x16xf32>
      tpu.vector_store %arg20[%swap3A_185, %swap3A_186], %swap3A_189 {strides = array<i32>} : memref<128x32xf32, #tpu.memory_space<vmem>>, vector<1x16xf32>,
      %scan3A_190 = arith.constant 0 : i32
      scf.yield %scan3A_190 : i32
    }
    %scan3A_15 = arith.constant 128 : i32
    %add3A_16 = arith.constant 0 : i32
    %add3A_17 = arith.addi %mul3A_2, %add3A_16 : i32
    "tpu.region"() ({
      %run_scoped3A_179 = tpu.sem_alloc : memref<!tpu.dma_semaphore, #tpu.memory_space<semaphore_mem>>
      %dma_start3A_180 = arith.constant 0 : i32
      %dma_start3A_181 = tpu.memref_slice %arg21[%add3A_17, %dma_start3A_180] : memref<8192x32xf32, #tpu.memory_space<vmem_shared>> -> memref<128x32xf32, #tpu.memory_space<vmem_shared>>
      %dma_start3A_182 = arith.constant 0 : i32
      %dma_start3A_183 = tpu.memref_slice %arg21[%add3A_17, %dma_start3A_182] : memref<8192x32xf32, #tpu.memory_space<vmem_shared>> -> memref<128x32xf32, #tpu.memory_space<vmem_shared>>
      tpu.enqueue_dma source(%arg20 : memref<128x32xf32, #tpu.memory_space<vmem>>) target(%dma_start3A_183 : memref<128x32xf32, #tpu.memory_space<vmem_shared>>) target_semaphore(%run_scoped3A_179 : memref<!tpu.dma_semaphore, #tpu.memory_space<semaphore_mem>>)
      %dma_wait3A_184 = arith.constant 0 : i32
      %dma_wait3A_185 = tpu.memref_slice %arg21[%add3A_17, %dma_wait3A_184] : memref<8192x32xf32, #tpu.memory_space<vmem_shared>> -> memref<128x32xf32, #tpu.memory_space<vmem_shared>>
      %dma_wait3A_186 = arith.constant 0 : i32
      %dma_wait3A_187 = tpu.memref_slice %arg21[%add3A_17, %dma_wait3A_186] : memref<8192x32xf32, #tpu.memory_space<vmem_shared>> -> memref<128x32xf32, #tpu.memory_space<vmem_shared>>
      tpu.wait_dma2 semaphore(%run_scoped3A_179 : memref<!tpu.dma_semaphore, #tpu.memory_space<semaphore_mem>>) src(%arg20 : memref<128x32xf32, #tpu.memory_space<vmem>>) dst(%dma_wait3A_187 : memref<128x32xf32, #tpu.memory_space<vmem_shared>>)
      tpu.yield
    }) : () -> ()
    %add3A_18 = arith.constant 128 : i32
    %add3A_19 = arith.addi %mul3A_2, %add3A_18 : i32
    "tpu.region"() ({
      %run_scoped3A_179 = tpu.sem_alloc : memref<!tpu.dma_semaphore, #tpu.memory_space<semaphore_mem>>
      %dma_start3A_180 = arith.constant 0 : i32
      %dma_start3A_181 = tpu.memref_slice %arg21[%add3A_19, %dma_start3A_180] : memref<8192x32xf32, #tpu.memory_space<vmem_shared>> -> memref<128x32xf32, #tpu.memory_space<vmem_shared>>
      %dma_start3A_182 = arith.constant 0 : i32
      %dma_start3A_183 = tpu.memref_slice %arg21[%add3A_19, %dma_start3A_182] : memref<8192x32xf32, #tpu.memory_space<vmem_shared>> -> memref<128x32xf32, #tpu.memory_space<vmem_shared>>
      tpu.enqueue_dma source(%arg20 : memref<128x32xf32, #tpu.memory_space<vmem>>) target(%dma_start3A_183 : memref<128x32xf32, #tpu.memory_space<vmem_shared>>) target_semaphore(%run_scoped3A_179 : memref<!tpu.dma_semaphore, #tpu.memory_space<semaphore_mem>>)
      %dma_wait3A_184 = arith.constant 0 : i32
      %dma_wait3A_185 = tpu.memref_slice %arg21[%add3A_19, %dma_wait3A_184] : memref<8192x32xf32, #tpu.memory_space<vmem_shared>> -> memref<128x32xf32, #tpu.memory_space<vmem_shared>>
      %dma_wait3A_186 = arith.constant 0 : i32
      %dma_wait3A_187 = tpu.memref_slice %arg21[%add3A_19, %dma_wait3A_186] : memref<8192x32xf32, #tpu.memory_space<vmem_shared>> -> memref<128x32xf32, #tpu.memory_space<vmem_shared>>
      tpu.wait_dma2 semaphore(%run_scoped3A_179 : memref<!tpu.dma_semaphore, #tpu.memory_space<semaphore_mem>>) src(%arg20 : memref<128x32xf32, #tpu.memory_space<vmem>>) dst(%dma_wait3A_187 : memref<128x32xf32, #tpu.memory_space<vmem_shared>>)
      tpu.yield
    }) : () -> ()
    %add3A_20 = arith.constant 256 : i32
    %add3A_21 = arith.addi %mul3A_2, %add3A_20 : i32
    "tpu.region"() ({
      %run_scoped3A_179 = tpu.sem_alloc : memref<!tpu.dma_semaphore, #tpu.memory_space<semaphore_mem>>
      %dma_start3A_180 = arith.constant 0 : i32
      %dma_start3A_181 = tpu.memref_slice %arg21[%add3A_21, %dma_start3A_180] : memref<8192x32xf32, #tpu.memory_space<vmem_shared>> -> memref<128x32xf32, #tpu.memory_space<vmem_shared>>
      %dma_start3A_182 = arith.constant 0 : i32
      %dma_start3A_183 = tpu.memref_slice %arg21[%add3A_21, %dma_start3A_182] : memref<8192x32xf32, #tpu.memory_space<vmem_shared>> -> memref<128x32xf32, #tpu.memory_space<vmem_shared>>
      tpu.enqueue_dma source(%arg20 : memref<128x32xf32, #tpu.memory_space<vmem>>) target(%dma_start3A_183 : memref<128x32xf32, #tpu.memory_space<vmem_shared>>) target_semaphore(%run_scoped3A_179 : memref<!tpu.dma_semaphore, #tpu.memory_space<semaphore_mem>>)
      %dma_wait3A_184 = arith.constant 0 : i32
      %dma_wait3A_185 = tpu.memref_slice %arg21[%add3A_21, %dma_wait3A_184] : memref<8192x32xf32, #tpu.memory_space<vmem_shared>> -> memref<128x32xf32, #tpu.memory_space<vmem_shared>>
      %dma_wait3A_186 = arith.constant 0 : i32
      %dma_wait3A_187 = tpu.memref_slice %arg21[%add3A_21, %dma_wait3A_186] : memref<8192x32xf32, #tpu.memory_space<vmem_shared>> -> memref<128x32xf32, #tpu.memory_space<vmem_shared>>
      tpu.wait_dma2 semaphore(%run_scoped3A_179 : memref<!tpu.dma_semaphore, #tpu.memory_space<semaphore_mem>>) src(%arg20 : memref<128x32xf32, #tpu.memory_space<vmem>>) dst(%dma_wait3A_187 : memref<128x32xf32, #tpu.memory_space<vmem_shared>>)
      tpu.yield
    }) : () -> ()
    %add3A_22 = arith.constant 384 : i32
    %add3A_23 = arith.addi %mul3A_2, %add3A_22 : i32
    "tpu.region"() ({
      %run_scoped3A_179 = tpu.sem_alloc : memref<!tpu.dma_semaphore, #tpu.memory_space<semaphore_mem>>
      %dma_start3A_180 = arith.constant 0 : i32
      %dma_start3A_181 = tpu.memref_slice %arg21[%add3A_23, %dma_start3A_180] : memref<8192x32xf32, #tpu.memory_space<vmem_shared>> -> memref<128x32xf32, #tpu.memory_space<vmem_shared>>
      %dma_start3A_182 = arith.constant 0 : i32
      %dma_start3A_183 = tpu.memref_slice %arg21[%add3A_23, %dma_start3A_182] : memref<8192x32xf32, #tpu.memory_space<vmem_shared>> -> memref<128x32xf32, #tpu.memory_space<vmem_shared>>
      tpu.enqueue_dma source(%arg20 : memref<128x32xf32, #tpu.memory_space<vmem>>) target(%dma_start3A_183 : memref<128x32xf32, #tpu.memory_space<vmem_shared>>) target_semaphore(%run_scoped3A_179 : memref<!tpu.dma_semaphore, #tpu.memory_space<semaphore_mem>>)
      %dma_wait3A_184 = arith.constant 0 : i32
      %dma_wait3A_185 = tpu.memref_slice %arg21[%add3A_23, %dma_wait3A_184] : memref<8192x32xf32, #tpu.memory_space<vmem_shared>> -> memref<128x32xf32, #tpu.memory_space<vmem_shared>>
      %dma_wait3A_186 = arith.constant 0 : i32
      %dma_wait3A_187 = tpu.memref_slice %arg21[%add3A_23, %dma_wait3A_186] : memref<8192x32xf32, #tpu.memory_space<vmem_shared>> -> memref<128x32xf32, #tpu.memory_space<vmem_shared>>
      tpu.wait_dma2 semaphore(%run_scoped3A_179 : memref<!tpu.dma_semaphore, #tpu.memory_space<semaphore_mem>>) src(%arg20 : memref<128x32xf32, #tpu.memory_space<vmem>>) dst(%dma_wait3A_187 : memref<128x32xf32, #tpu.memory_space<vmem_shared>>)
      tpu.yield
    }) : () -> ()
    %dma_start3A = arith.constant 0 : i32
    %dma_start3A_24 = arith.constant 0 : i32
    %dma_start3A_25 = tpu.memref_slice %arg9[%dma_start3A, %dma_start3A_24] : memref<4x128xi32, #tpu.memory_space<vmem>> -> memref<1x128xi32, #tpu.memory_space<vmem>>
    %dma_start3A_26 = tpu.memref_squeeze %dma_start3A_25 : memref<1x128xi32, #tpu.memory_space<vmem>> -> memref<128xi32, #tpu.memory_space<vmem>>
    %dma_start3A_27 = arith.constant 0 : i32
    %dma_start3A_28 = arith.constant 0 : i32
    %dma_start3A_29 = tpu.memref_slice %arg5[%dma_start3A_27, %dma_start3A_28] : memref<1000000x32xf32, #tpu.memory_space<hbm>> -> memref<1000000x32xf32, #tpu.memory_space<hbm>>
    tpu.enqueue_indirect_dma source(%dma_start3A_29 : memref<1000000x32xf32, #tpu.memory_space<hbm>>) target(%arg12 : memref<128x32xf32, #tpu.memory_space<vmem>>) offsets(%dma_start3A_26 : memref<128xi32, #tpu.memory_space<vmem>>) semaphore(%arg22 : memref<!tpu.dma_semaphore, #tpu.memory_space<semaphore_mem>>)
    %dma_start3A_30 = arith.constant 1 : i32
    %dma_start3A_31 = arith.constant 0 : i32
    %dma_start3A_32 = tpu.memref_slice %arg9[%dma_start3A_30, %dma_start3A_31] : memref<4x128xi32, #tpu.memory_space<vmem>> -> memref<1x128xi32, #tpu.memory_space<vmem>>
    %dma_start3A_33 = tpu.memref_squeeze %dma_start3A_32 : memref<1x128xi32, #tpu.memory_space<vmem>> -> memref<128xi32, #tpu.memory_space<vmem>>
    %dma_start3A_34 = arith.constant 0 : i32
    %dma_start3A_35 = arith.constant 0 : i32
    %dma_start3A_36 = tpu.memref_slice %arg5[%dma_start3A_34, %dma_start3A_35] : memref<1000000x32xf32, #tpu.memory_space<hbm>> -> memref<1000000x32xf32, #tpu.memory_space<hbm>>
    tpu.enqueue_indirect_dma source(%dma_start3A_36 : memref<1000000x32xf32, #tpu.memory_space<hbm>>) target(%arg13 : memref<128x32xf32, #tpu.memory_space<vmem>>) offsets(%dma_start3A_33 : memref<128xi32, #tpu.memory_space<vmem>>) semaphore(%arg23 : memref<!tpu.dma_semaphore, #tpu.memory_space<semaphore_mem>>)
    %dma_wait3A = arith.constant 0 : i32
    %dma_wait3A_37 = arith.constant 0 : i32
    %dma_wait3A_38 = tpu.memref_slice %arg5[%dma_wait3A, %dma_wait3A_37] : memref<1000000x32xf32, #tpu.memory_space<hbm>> -> memref<128x32xf32, #tpu.memory_space<hbm>>
    %dma_wait3A_39 = arith.constant 0 : i32
    %dma_wait3A_40 = arith.constant 0 : i32
    %dma_wait3A_41 = tpu.memref_slice %arg5[%dma_wait3A_39, %dma_wait3A_40] : memref<1000000x32xf32, #tpu.memory_space<hbm>> -> memref<128x32xf32, #tpu.memory_space<hbm>>
    tpu.wait_dma2 semaphore(%arg22 : memref<!tpu.dma_semaphore, #tpu.memory_space<semaphore_mem>>) src(%dma_wait3A_41 : memref<128x32xf32, #tpu.memory_space<hbm>>) dst(%arg12 : memref<128x32xf32, #tpu.memory_space<vmem>>)
    %mul3A_42 = arith.constant 512 : i32
    %mul3A_43 = arith.muli %add3A, %mul3A_42 : i32
    %add3A_44 = arith.constant 0 : i32
    %add3A_45 = arith.addi %mul3A_43, %add3A_44 : i32
    "tpu.region"() ({
      %run_scoped3A_179 = tpu.sem_alloc : memref<!tpu.dma_semaphore, #tpu.memory_space<semaphore_mem>>
      %dma_start3A_180 = arith.constant 0 : i32
      %dma_start3A_181 = tpu.memref_slice %arg7[%add3A_45, %dma_start3A_180] : memref<16384x32xf32, #tpu.memory_space<hbm>> -> memref<128x32xf32, #tpu.memory_space<hbm>>
      %dma_start3A_182 = arith.constant 0 : i32
      %dma_start3A_183 = tpu.memref_slice %arg7[%add3A_45, %dma_start3A_182] : memref<16384x32xf32, #tpu.memory_space<hbm>> -> memref<128x32xf32, #tpu.memory_space<hbm>>
      tpu.enqueue_dma source(%arg12 : memref<128x32xf32, #tpu.memory_space<vmem>>) target(%dma_start3A_183 : memref<128x32xf32, #tpu.memory_space<hbm>>) target_semaphore(%run_scoped3A_179 : memref<!tpu.dma_semaphore, #tpu.memory_space<semaphore_mem>>)
      %dma_wait3A_184 = arith.constant 0 : i32
      %dma_wait3A_185 = tpu.memref_slice %arg7[%add3A_45, %dma_wait3A_184] : memref<16384x32xf32, #tpu.memory_space<hbm>> -> memref<128x32xf32, #tpu.memory_space<hbm>>
      %dma_wait3A_186 = arith.constant 0 : i32
      %dma_wait3A_187 = tpu.memref_slice %arg7[%add3A_45, %dma_wait3A_186] : memref<16384x32xf32, #tpu.memory_space<hbm>> -> memref<128x32xf32, #tpu.memory_space<hbm>>
      tpu.wait_dma2 semaphore(%run_scoped3A_179 : memref<!tpu.dma_semaphore, #tpu.memory_space<semaphore_mem>>) src(%arg12 : memref<128x32xf32, #tpu.memory_space<vmem>>) dst(%dma_wait3A_187 : memref<128x32xf32, #tpu.memory_space<hbm>>)
      tpu.yield
    }) : () -> ()
    %dma_start3A_46 = arith.constant 2 : i32
    %dma_start3A_47 = arith.constant 0 : i32
    %dma_start3A_48 = tpu.memref_slice %arg9[%dma_start3A_46, %dma_start3A_47] : memref<4x128xi32, #tpu.memory_space<vmem>> -> memref<1x128xi32, #tpu.memory_space<vmem>>
    %dma_start3A_49 = tpu.memref_squeeze %dma_start3A_48 : memref<1x128xi32, #tpu.memory_space<vmem>> -> memref<128xi32, #tpu.memory_space<vmem>>
    %dma_start3A_50 = arith.constant 0 : i32
    %dma_start3A_51 = arith.constant 0 : i32
    %dma_start3A_52 = tpu.memref_slice %arg5[%dma_start3A_50, %dma_start3A_51] : memref<1000000x32xf32, #tpu.memory_space<hbm>> -> memref<1000000x32xf32, #tpu.memory_space<hbm>>
    tpu.enqueue_indirect_dma source(%dma_start3A_52 : memref<1000000x32xf32, #tpu.memory_space<hbm>>) target(%arg14 : memref<128x32xf32, #tpu.memory_space<vmem>>) offsets(%dma_start3A_49 : memref<128xi32, #tpu.memory_space<vmem>>) semaphore(%arg24 : memref<!tpu.dma_semaphore, #tpu.memory_space<semaphore_mem>>)
    %dma_wait3A_53 = arith.constant 0 : i32
    %dma_wait3A_54 = arith.constant 0 : i32
    %dma_wait3A_55 = tpu.memref_slice %arg5[%dma_wait3A_53, %dma_wait3A_54] : memref<1000000x32xf32, #tpu.memory_space<hbm>> -> memref<128x32xf32, #tpu.memory_space<hbm>>
    %dma_wait3A_56 = arith.constant 0 : i32
    %dma_wait3A_57 = arith.constant 0 : i32
    %dma_wait3A_58 = tpu.memref_slice %arg5[%dma_wait3A_56, %dma_wait3A_57] : memref<1000000x32xf32, #tpu.memory_space<hbm>> -> memref<128x32xf32, #tpu.memory_space<hbm>>
    tpu.wait_dma2 semaphore(%arg23 : memref<!tpu.dma_semaphore, #tpu.memory_space<semaphore_mem>>) src(%dma_wait3A_58 : memref<128x32xf32, #tpu.memory_space<hbm>>) dst(%arg13 : memref<128x32xf32, #tpu.memory_space<vmem>>)
    %mul3A_59 = arith.constant 512 : i32
    %mul3A_60 = arith.muli %add3A, %mul3A_59 : i32
    %add3A_61 = arith.constant 128 : i32
    %add3A_62 = arith.addi %mul3A_60, %add3A_61 : i32
    "tpu.region"() ({
      %run_scoped3A_179 = tpu.sem_alloc : memref<!tpu.dma_semaphore, #tpu.memory_space<semaphore_mem>>
      %dma_start3A_180 = arith.constant 0 : i32
      %dma_start3A_181 = tpu.memref_slice %arg7[%add3A_62, %dma_start3A_180] : memref<16384x32xf32, #tpu.memory_space<hbm>> -> memref<128x32xf32, #tpu.memory_space<hbm>>
      %dma_start3A_182 = arith.constant 0 : i32
      %dma_start3A_183 = tpu.memref_slice %arg7[%add3A_62, %dma_start3A_182] : memref<16384x32xf32, #tpu.memory_space<hbm>> -> memref<128x32xf32, #tpu.memory_space<hbm>>
      tpu.enqueue_dma source(%arg13 : memref<128x32xf32, #tpu.memory_space<vmem>>) target(%dma_start3A_183 : memref<128x32xf32, #tpu.memory_space<hbm>>) target_semaphore(%run_scoped3A_179 : memref<!tpu.dma_semaphore, #tpu.memory_space<semaphore_mem>>)
      %dma_wait3A_184 = arith.constant 0 : i32
      %dma_wait3A_185 = tpu.memref_slice %arg7[%add3A_62, %dma_wait3A_184] : memref<16384x32xf32, #tpu.memory_space<hbm>> -> memref<128x32xf32, #tpu.memory_space<hbm>>
      %dma_wait3A_186 = arith.constant 0 : i32
      %dma_wait3A_187 = tpu.memref_slice %arg7[%add3A_62, %dma_wait3A_186] : memref<16384x32xf32, #tpu.memory_space<hbm>> -> memref<128x32xf32, #tpu.memory_space<hbm>>
      tpu.wait_dma2 semaphore(%run_scoped3A_179 : memref<!tpu.dma_semaphore, #tpu.memory_space<semaphore_mem>>) src(%arg13 : memref<128x32xf32, #tpu.memory_space<vmem>>) dst(%dma_wait3A_187 : memref<128x32xf32, #tpu.memory_space<hbm>>)
      tpu.yield
    }) : () -> ()
    %dma_start3A_63 = arith.constant 3 : i32
    %dma_start3A_64 = arith.constant 0 : i32
    %dma_start3A_65 = tpu.memref_slice %arg9[%dma_start3A_63, %dma_start3A_64] : memref<4x128xi32, #tpu.memory_space<vmem>> -> memref<1x128xi32, #tpu.memory_space<vmem>>
    %dma_start3A_66 = tpu.memref_squeeze %dma_start3A_65 : memref<1x128xi32, #tpu.memory_space<vmem>> -> memref<128xi32, #tpu.memory_space<vmem>>
    %dma_start3A_67 = arith.constant 0 : i32
    %dma_start3A_68 = arith.constant 0 : i32
    %dma_start3A_69 = tpu.memref_slice %arg5[%dma_start3A_67, %dma_start3A_68] : memref<1000000x32xf32, #tpu.memory_space<hbm>> -> memref<1000000x32xf32, #tpu.memory_space<hbm>>
    tpu.enqueue_indirect_dma source(%dma_start3A_69 : memref<1000000x32xf32, #tpu.memory_space<hbm>>) target(%arg15 : memref<128x32xf32, #tpu.memory_space<vmem>>) offsets(%dma_start3A_66 : memref<128xi32, #tpu.memory_space<vmem>>) semaphore(%arg25 : memref<!tpu.dma_semaphore, #tpu.memory_space<semaphore_mem>>)
    %dma_wait3A_70 = arith.constant 0 : i32
    %dma_wait3A_71 = arith.constant 0 : i32
    %dma_wait3A_72 = tpu.memref_slice %arg5[%dma_wait3A_70, %dma_wait3A_71] : memref<1000000x32xf32, #tpu.memory_space<hbm>> -> memref<128x32xf32, #tpu.memory_space<hbm>>
    %dma_wait3A_73 = arith.constant 0 : i32
    %dma_wait3A_74 = arith.constant 0 : i32
    %dma_wait3A_75 = tpu.memref_slice %arg5[%dma_wait3A_73, %dma_wait3A_74] : memref<1000000x32xf32, #tpu.memory_space<hbm>> -> memref<128x32xf32, #tpu.memory_space<hbm>>
    tpu.wait_dma2 semaphore(%arg24 : memref<!tpu.dma_semaphore, #tpu.memory_space<semaphore_mem>>) src(%dma_wait3A_75 : memref<128x32xf32, #tpu.memory_space<hbm>>) dst(%arg14 : memref<128x32xf32, #tpu.memory_space<vmem>>)
    %mul3A_76 = arith.constant 512 : i32
    %mul3A_77 = arith.muli %add3A, %mul3A_76 : i32
    %add3A_78 = arith.constant 256 : i32
    %add3A_79 = arith.addi %mul3A_77, %add3A_78 : i32
    "tpu.region"() ({
      %run_scoped3A_179 = tpu.sem_alloc : memref<!tpu.dma_semaphore, #tpu.memory_space<semaphore_mem>>
      %dma_start3A_180 = arith.constant 0 : i32
      %dma_start3A_181 = tpu.memref_slice %arg7[%add3A_79, %dma_start3A_180] : memref<16384x32xf32, #tpu.memory_space<hbm>> -> memref<128x32xf32, #tpu.memory_space<hbm>>
      %dma_start3A_182 = arith.constant 0 : i32
      %dma_start3A_183 = tpu.memref_slice %arg7[%add3A_79, %dma_start3A_182] : memref<16384x32xf32, #tpu.memory_space<hbm>> -> memref<128x32xf32, #tpu.memory_space<hbm>>
      tpu.enqueue_dma source(%arg14 : memref<128x32xf32, #tpu.memory_space<vmem>>) target(%dma_start3A_183 : memref<128x32xf32, #tpu.memory_space<hbm>>) target_semaphore(%run_scoped3A_179 : memref<!tpu.dma_semaphore, #tpu.memory_space<semaphore_mem>>)
      %dma_wait3A_184 = arith.constant 0 : i32
      %dma_wait3A_185 = tpu.memref_slice %arg7[%add3A_79, %dma_wait3A_184] : memref<16384x32xf32, #tpu.memory_space<hbm>> -> memref<128x32xf32, #tpu.memory_space<hbm>>
      %dma_wait3A_186 = arith.constant 0 : i32
      %dma_wait3A_187 = tpu.memref_slice %arg7[%add3A_79, %dma_wait3A_186] : memref<16384x32xf32, #tpu.memory_space<hbm>> -> memref<128x32xf32, #tpu.memory_space<hbm>>
      tpu.wait_dma2 semaphore(%run_scoped3A_179 : memref<!tpu.dma_semaphore, #tpu.memory_space<semaphore_mem>>) src(%arg14 : memref<128x32xf32, #tpu.memory_space<vmem>>) dst(%dma_wait3A_187 : memref<128x32xf32, #tpu.memory_space<hbm>>)
      tpu.yield
    }) : () -> ()
    %dma_wait3A_80 = arith.constant 0 : i32
    %dma_wait3A_81 = arith.constant 0 : i32
    %dma_wait3A_82 = tpu.memref_slice %arg5[%dma_wait3A_80, %dma_wait3A_81] : memref<1000000x32xf32, #tpu.memory_space<hbm>> -> memref<128x32xf32, #tpu.memory_space<hbm>>
    %dma_wait3A_83 = arith.constant 0 : i32
    %dma_wait3A_84 = arith.constant 0 : i32
    %dma_wait3A_85 = tpu.memref_slice %arg5[%dma_wait3A_83, %dma_wait3A_84] : memref<1000000x32xf32, #tpu.memory_space<hbm>> -> memref<128x32xf32, #tpu.memory_space<hbm>>
    tpu.wait_dma2 semaphore(%arg25 : memref<!tpu.dma_semaphore, #tpu.memory_space<semaphore_mem>>) src(%dma_wait3A_85 : memref<128x32xf32, #tpu.memory_space<hbm>>) dst(%arg15 : memref<128x32xf32, #tpu.memory_space<vmem>>)
    %mul3A_86 = arith.constant 512 : i32
    %mul3A_87 = arith.muli %add3A, %mul3A_86 : i32
    %add3A_88 = arith.constant 384 : i32
    %add3A_89 = arith.addi %mul3A_87, %add3A_88 : i32
    "tpu.region"() ({
      %run_scoped3A_179 = tpu.sem_alloc : memref<!tpu.dma_semaphore, #tpu.memory_space<semaphore_mem>>
      %dma_start3A_180 = arith.constant 0 : i32
      %dma_start3A_181 = tpu.memref_slice %arg7[%add3A_89, %dma_start3A_180] : memref<16384x32xf32, #tpu.memory_space<hbm>> -> memref<128x32xf32, #tpu.memory_space<hbm>>
      %dma_start3A_182 = arith.constant 0 : i32
      %dma_start3A_183 = tpu.memref_slice %arg7[%add3A_89, %dma_start3A_182] : memref<16384x32xf32, #tpu.memory_space<hbm>> -> memref<128x32xf32, #tpu.memory_space<hbm>>
      tpu.enqueue_dma source(%arg15 : memref<128x32xf32, #tpu.memory_space<vmem>>) target(%dma_start3A_183 : memref<128x32xf32, #tpu.memory_space<hbm>>) target_semaphore(%run_scoped3A_179 : memref<!tpu.dma_semaphore, #tpu.memory_space<semaphore_mem>>)
      %dma_wait3A_184 = arith.constant 0 : i32
      %dma_wait3A_185 = tpu.memref_slice %arg7[%add3A_89, %dma_wait3A_184] : memref<16384x32xf32, #tpu.memory_space<hbm>> -> memref<128x32xf32, #tpu.memory_space<hbm>>
      %dma_wait3A_186 = arith.constant 0 : i32
      %dma_wait3A_187 = tpu.memref_slice %arg7[%add3A_89, %dma_wait3A_186] : memref<16384x32xf32, #tpu.memory_space<hbm>> -> memref<128x32xf32, #tpu.memory_space<hbm>>
      tpu.wait_dma2 semaphore(%run_scoped3A_179 : memref<!tpu.dma_semaphore, #tpu.memory_space<semaphore_mem>>) src(%arg15 : memref<128x32xf32, #tpu.memory_space<vmem>>) dst(%dma_wait3A_187 : memref<128x32xf32, #tpu.memory_space<hbm>>)
      tpu.yield
    }) : () -> ()
    %dma_start3A_90 = arith.constant 0 : i32
    %dma_start3A_91 = arith.constant 0 : i32
    %dma_start3A_92 = tpu.memref_slice %arg10[%dma_start3A_90, %dma_start3A_91] : memref<200x128xi32, #tpu.memory_space<vmem>> -> memref<1x128xi32, #tpu.memory_space<vmem>>
    %dma_start3A_93 = tpu.memref_squeeze %dma_start3A_92 : memref<1x128xi32, #tpu.memory_space<vmem>> -> memref<128xi32, #tpu.memory_space<vmem>>
    %dma_start3A_94 = arith.constant 0 : i32
    %dma_start3A_95 = arith.constant 0 : i32
    %dma_start3A_96 = tpu.memref_slice %arg6[%dma_start3A_94, %dma_start3A_95] : memref<1000000x32xf32, #tpu.memory_space<hbm>> -> memref<1000000x32xf32, #tpu.memory_space<hbm>>
    tpu.enqueue_indirect_dma source(%dma_start3A_96 : memref<1000000x32xf32, #tpu.memory_space<hbm>>) target(%arg12 : memref<128x32xf32, #tpu.memory_space<vmem>>) offsets(%dma_start3A_93 : memref<128xi32, #tpu.memory_space<vmem>>) semaphore(%arg22 : memref<!tpu.dma_semaphore, #tpu.memory_space<semaphore_mem>>)
    %dma_start3A_97 = arith.constant 1 : i32
    %dma_start3A_98 = arith.constant 0 : i32
    %dma_start3A_99 = tpu.memref_slice %arg10[%dma_start3A_97, %dma_start3A_98] : memref<200x128xi32, #tpu.memory_space<vmem>> -> memref<1x128xi32, #tpu.memory_space<vmem>>
    %dma_start3A_100 = tpu.memref_squeeze %dma_start3A_99 : memref<1x128xi32, #tpu.memory_space<vmem>> -> memref<128xi32, #tpu.memory_space<vmem>>
    %dma_start3A_101 = arith.constant 0 : i32
    %dma_start3A_102 = arith.constant 0 : i32
    %dma_start3A_103 = tpu.memref_slice %arg6[%dma_start3A_101, %dma_start3A_102] : memref<1000000x32xf32, #tpu.memory_space<hbm>> -> memref<1000000x32xf32, #tpu.memory_space<hbm>>
    tpu.enqueue_indirect_dma source(%dma_start3A_103 : memref<1000000x32xf32, #tpu.memory_space<hbm>>) target(%arg13 : memref<128x32xf32, #tpu.memory_space<vmem>>) offsets(%dma_start3A_100 : memref<128xi32, #tpu.memory_space<vmem>>) semaphore(%arg23 : memref<!tpu.dma_semaphore, #tpu.memory_space<semaphore_mem>>)
    %dma_start3A_104 = arith.constant 2 : i32
    %dma_start3A_105 = arith.constant 0 : i32
    %dma_start3A_106 = tpu.memref_slice %arg10[%dma_start3A_104, %dma_start3A_105] : memref<200x128xi32, #tpu.memory_space<vmem>> -> memref<1x128xi32, #tpu.memory_space<vmem>>
    %dma_start3A_107 = tpu.memref_squeeze %dma_start3A_106 : memref<1x128xi32, #tpu.memory_space<vmem>> -> memref<128xi32, #tpu.memory_space<vmem>>
    %dma_start3A_108 = arith.constant 0 : i32
    %dma_start3A_109 = arith.constant 0 : i32
    %dma_start3A_110 = tpu.memref_slice %arg6[%dma_start3A_108, %dma_start3A_109] : memref<1000000x32xf32, #tpu.memory_space<hbm>> -> memref<1000000x32xf32, #tpu.memory_space<hbm>>
    tpu.enqueue_indirect_dma source(%dma_start3A_110 : memref<1000000x32xf32, #tpu.memory_space<hbm>>) target(%arg14 : memref<128x32xf32, #tpu.memory_space<vmem>>) offsets(%dma_start3A_107 : memref<128xi32, #tpu.memory_space<vmem>>) semaphore(%arg24 : memref<!tpu.dma_semaphore, #tpu.memory_space<semaphore_mem>>)
    %dma_start3A_111 = arith.constant 3 : i32
    %dma_start3A_112 = arith.constant 0 : i32
    %dma_start3A_113 = tpu.memref_slice %arg10[%dma_start3A_111, %dma_start3A_112] : memref<200x128xi32, #tpu.memory_space<vmem>> -> memref<1x128xi32, #tpu.memory_space<vmem>>
    %dma_start3A_114 = tpu.memref_squeeze %dma_start3A_113 : memref<1x128xi32, #tpu.memory_space<vmem>> -> memref<128xi32, #tpu.memory_space<vmem>>
    %dma_start3A_115 = arith.constant 0 : i32
    %dma_start3A_116 = arith.constant 0 : i32
    %dma_start3A_117 = tpu.memref_slice %arg6[%dma_start3A_115, %dma_start3A_116] : memref<1000000x32xf32, #tpu.memory_space<hbm>> -> memref<1000000x32xf32, #tpu.memory_space<hbm>>
    tpu.enqueue_indirect_dma source(%dma_start3A_117 : memref<1000000x32xf32, #tpu.memory_space<hbm>>) target(%arg15 : memref<128x32xf32, #tpu.memory_space<vmem>>) offsets(%dma_start3A_114 : memref<128xi32, #tpu.memory_space<vmem>>) semaphore(%arg25 : memref<!tpu.dma_semaphore, #tpu.memory_space<semaphore_mem>>)
    %dma_start3A_118 = arith.constant 4 : i32
    %dma_start3A_119 = arith.constant 0 : i32
    %dma_start3A_120 = tpu.memref_slice %arg10[%dma_start3A_118, %dma_start3A_119] : memref<200x128xi32, #tpu.memory_space<vmem>> -> memref<1x128xi32, #tpu.memory_space<vmem>>
    %dma_start3A_121 = tpu.memref_squeeze %dma_start3A_120 : memref<1x128xi32, #tpu.memory_space<vmem>> -> memref<128xi32, #tpu.memory_space<vmem>>
    %dma_start3A_122 = arith.constant 0 : i32
    %dma_start3A_123 = arith.constant 0 : i32
    %dma_start3A_124 = tpu.memref_slice %arg6[%dma_start3A_122, %dma_start3A_123] : memref<1000000x32xf32, #tpu.memory_space<hbm>> -> memref<1000000x32xf32, #tpu.memory_space<hbm>>
    tpu.enqueue_indirect_dma source(%dma_start3A_124 : memref<1000000x32xf32, #tpu.memory_space<hbm>>) target(%arg16 : memref<128x32xf32, #tpu.memory_space<vmem>>) offsets(%dma_start3A_121 : memref<128xi32, #tpu.memory_space<vmem>>) semaphore(%arg26 : memref<!tpu.dma_semaphore, #tpu.memory_space<semaphore_mem>>)
    %dma_start3A_125 = arith.constant 5 : i32
    %dma_start3A_126 = arith.constant 0 : i32
    %dma_start3A_127 = tpu.memref_slice %arg10[%dma_start3A_125, %dma_start3A_126] : memref<200x128xi32, #tpu.memory_space<vmem>> -> memref<1x128xi32, #tpu.memory_space<vmem>>
    %dma_start3A_128 = tpu.memref_squeeze %dma_start3A_127 : memref<1x128xi32, #tpu.memory_space<vmem>> -> memref<128xi32, #tpu.memory_space<vmem>>
    %dma_start3A_129 = arith.constant 0 : i32
    %dma_start3A_130 = arith.constant 0 : i32
    %dma_start3A_131 = tpu.memref_slice %arg6[%dma_start3A_129, %dma_start3A_130] : memref<1000000x32xf32, #tpu.memory_space<hbm>> -> memref<1000000x32xf32, #tpu.memory_space<hbm>>
    tpu.enqueue_indirect_dma source(%dma_start3A_131 : memref<1000000x32xf32, #tpu.memory_space<hbm>>) target(%arg17 : memref<128x32xf32, #tpu.memory_space<vmem>>) offsets(%dma_start3A_128 : memref<128xi32, #tpu.memory_space<vmem>>) semaphore(%arg27 : memref<!tpu.dma_semaphore, #tpu.memory_space<semaphore_mem>>)
    %dma_start3A_132 = arith.constant 6 : i32
    %dma_start3A_133 = arith.constant 0 : i32
    %dma_start3A_134 = tpu.memref_slice %arg10[%dma_start3A_132, %dma_start3A_133] : memref<200x128xi32, #tpu.memory_space<vmem>> -> memref<1x128xi32, #tpu.memory_space<vmem>>
    %dma_start3A_135 = tpu.memref_squeeze %dma_start3A_134 : memref<1x128xi32, #tpu.memory_space<vmem>> -> memref<128xi32, #tpu.memory_space<vmem>>
    %dma_start3A_136 = arith.constant 0 : i32
    %dma_start3A_137 = arith.constant 0 : i32
    %dma_start3A_138 = tpu.memref_slice %arg6[%dma_start3A_136, %dma_start3A_137] : memref<1000000x32xf32, #tpu.memory_space<hbm>> -> memref<1000000x32xf32, #tpu.memory_space<hbm>>
    tpu.enqueue_indirect_dma source(%dma_start3A_138 : memref<1000000x32xf32, #tpu.memory_space<hbm>>) target(%arg18 : memref<128x32xf32, #tpu.memory_space<vmem>>) offsets(%dma_start3A_135 : memref<128xi32, #tpu.memory_space<vmem>>) semaphore(%arg28 : memref<!tpu.dma_semaphore, #tpu.memory_space<semaphore_mem>>)
    %dma_start3A_139 = arith.constant 7 : i32
    %dma_start3A_140 = arith.constant 0 : i32
    %dma_start3A_141 = tpu.memref_slice %arg10[%dma_start3A_139, %dma_start3A_140] : memref<200x128xi32, #tpu.memory_space<vmem>> -> memref<1x128xi32, #tpu.memory_space<vmem>>
    %dma_start3A_142 = tpu.memref_squeeze %dma_start3A_141 : memref<1x128xi32, #tpu.memory_space<vmem>> -> memref<128xi32, #tpu.memory_space<vmem>>
    %dma_start3A_143 = arith.constant 0 : i32
    %dma_start3A_144 = arith.constant 0 : i32
    %dma_start3A_145 = tpu.memref_slice %arg6[%dma_start3A_143, %dma_start3A_144] : memref<1000000x32xf32, #tpu.memory_space<hbm>> -> memref<1000000x32xf32, #tpu.memory_space<hbm>>
    tpu.enqueue_indirect_dma source(%dma_start3A_145 : memref<1000000x32xf32, #tpu.memory_space<hbm>>) target(%arg19 : memref<128x32xf32, #tpu.memory_space<vmem>>) offsets(%dma_start3A_142 : memref<128xi32, #tpu.memory_space<vmem>>) semaphore(%arg29 : memref<!tpu.dma_semaphore, #tpu.memory_space<semaphore_mem>>)
    %scan3A_146 = arith.constant 0 : i32
    %scan3A_147 = arith.constant 0 : i32
    %scan3A_148 = arith.constant 25 : i32
    %scan3A_149 = arith.addi %scan3A_147, %scan3A_148 : i32
    %scan3A_150 = arith.constant 1 : i32
    %scan3A_151 = scf.for %scan3A_179 = %scan3A_147 to %scan3A_149 step %scan3A_150 iter_args(%scan3A_180 = %scan3A_146) -> (i32)  : i32 {
      %mul3A_181 = arith.constant 8 : i32
      %mul3A_182 = arith.muli %scan3A_179, %mul3A_181 : i32
      %add3A_183 = arith.constant 0 : i32
      %add3A_184 = arith.addi %mul3A_182, %add3A_183 : i32
      %dma_wait3A_185 = arith.constant 0 : i32
      %dma_wait3A_186 = arith.constant 0 : i32
      %dma_wait3A_187 = tpu.memref_slice %arg6[%dma_wait3A_185, %dma_wait3A_186] : memref<1000000x32xf32, #tpu.memory_space<hbm>> -> memref<128x32xf32, #tpu.memory_space<hbm>>
      %dma_wait3A_188 = arith.constant 0 : i32
      %dma_wait3A_189 = arith.constant 0 : i32
      %dma_wait3A_190 = tpu.memref_slice %arg6[%dma_wait3A_188, %dma_wait3A_189] : memref<1000000x32xf32, #tpu.memory_space<hbm>> -> memref<128x32xf32, #tpu.memory_space<hbm>>
      tpu.wait_dma2 semaphore(%arg22 : memref<!tpu.dma_semaphore, #tpu.memory_space<semaphore_mem>>) src(%dma_wait3A_190 : memref<128x32xf32, #tpu.memory_space<hbm>>) dst(%arg12 : memref<128x32xf32, #tpu.memory_space<vmem>>)
      "tpu.region"() ({
        %run_scoped3A_315 = tpu.sem_alloc : memref<!tpu.dma_semaphore, #tpu.memory_space<semaphore_mem>>
        %dma_start3A_316 = arith.constant 0 : i32
        %dma_start3A_317 = tpu.memref_slice %arg11[%add3A_184, %dma_start3A_316] : memref<200x128xi32, #tpu.memory_space<vmem>> -> memref<1x128xi32, #tpu.memory_space<vmem>>
        %dma_start3A_318 = tpu.memref_squeeze %dma_start3A_317 : memref<1x128xi32, #tpu.memory_space<vmem>> -> memref<128xi32, #tpu.memory_space<vmem>>
        %dma_start3A_319 = arith.constant 0 : i32
        %dma_start3A_320 = arith.constant 0 : i32
        %dma_start3A_321 = tpu.memref_slice %arg21[%dma_start3A_319, %dma_start3A_320] : memref<8192x32xf32, #tpu.memory_space<vmem_shared>> -> memref<8192x32xf32, #tpu.memory_space<vmem_shared>>
        tpu.enqueue_indirect_dma source(%arg12 : memref<128x32xf32, #tpu.memory_space<vmem>>) target(%dma_start3A_321 : memref<8192x32xf32, #tpu.memory_space<vmem_shared>>) offsets(%dma_start3A_318 : memref<128xi32, #tpu.memory_space<vmem>>) semaphore(%run_scoped3A_315 : memref<!tpu.dma_semaphore, #tpu.memory_space<semaphore_mem>>) {add = true}
        %dma_wait3A_322 = arith.constant 0 : i32
        %dma_wait3A_323 = tpu.memref_slice %arg11[%add3A_184, %dma_wait3A_322] : memref<200x128xi32, #tpu.memory_space<vmem>> -> memref<1x128xi32, #tpu.memory_space<vmem>>
        %dma_wait3A_324 = tpu.memref_squeeze %dma_wait3A_323 : memref<1x128xi32, #tpu.memory_space<vmem>> -> memref<128xi32, #tpu.memory_space<vmem>>
        %dma_wait3A_325 = arith.constant 0 : i32
        %dma_wait3A_326 = arith.constant 0 : i32
        %dma_wait3A_327 = tpu.memref_slice %arg21[%dma_wait3A_325, %dma_wait3A_326] : memref<8192x32xf32, #tpu.memory_space<vmem_shared>> -> memref<8192x32xf32, #tpu.memory_space<vmem_shared>>
        tpu.wait_indirect_dma semaphore(%run_scoped3A_315 : memref<!tpu.dma_semaphore, #tpu.memory_space<semaphore_mem>>) src(%arg12 : memref<128x32xf32, #tpu.memory_space<vmem>>) dst(%dma_wait3A_327 : memref<8192x32xf32, #tpu.memory_space<vmem_shared>>)
        tpu.yield
      }) : () -> ()
      %add3A_191 = arith.constant 8 : i32
      %add3A_192 = arith.addi %add3A_184, %add3A_191 : i32
      %lt3A = arith.constant 200 : i32
      %lt3A_193 = arith.cmpi slt, %add3A_192, %lt3A : i32
      %convert_element_type3A = arith.extui %lt3A_193 : i1 to i32
      %cond3A = arith.constant 0 : i32
      %cond3A_194 = arith.cmpi ne, %convert_element_type3A, %cond3A : i32
      scf.if %cond3A_194 {
        %dma_start3A_315 = arith.constant 0 : i32
        %dma_start3A_316 = tpu.memref_slice %arg10[%add3A_192, %dma_start3A_315] : memref<200x128xi32, #tpu.memory_space<vmem>> -> memref<1x128xi32, #tpu.memory_space<vmem>>
        %dma_start3A_317 = tpu.memref_squeeze %dma_start3A_316 : memref<1x128xi32, #tpu.memory_space<vmem>> -> memref<128xi32, #tpu.memory_space<vmem>>
        %dma_start3A_318 = arith.constant 0 : i32
        %dma_start3A_319 = arith.constant 0 : i32
        %dma_start3A_320 = tpu.memref_slice %arg6[%dma_start3A_318, %dma_start3A_319] : memref<1000000x32xf32, #tpu.memory_space<hbm>> -> memref<1000000x32xf32, #tpu.memory_space<hbm>>
        tpu.enqueue_indirect_dma source(%dma_start3A_320 : memref<1000000x32xf32, #tpu.memory_space<hbm>>) target(%arg12 : memref<128x32xf32, #tpu.memory_space<vmem>>) offsets(%dma_start3A_317 : memref<128xi32, #tpu.memory_space<vmem>>) semaphore(%arg22 : memref<!tpu.dma_semaphore, #tpu.memory_space<semaphore_mem>>)
      } else {
      }
      %mul3A_195 = arith.constant 8 : i32
      %mul3A_196 = arith.muli %scan3A_179, %mul3A_195 : i32
      %add3A_197 = arith.constant 1 : i32
      %add3A_198 = arith.addi %mul3A_196, %add3A_197 : i32
      %dma_wait3A_199 = arith.constant 0 : i32
      %dma_wait3A_200 = arith.constant 0 : i32
      %dma_wait3A_201 = tpu.memref_slice %arg6[%dma_wait3A_199, %dma_wait3A_200] : memref<1000000x32xf32, #tpu.memory_space<hbm>> -> memref<128x32xf32, #tpu.memory_space<hbm>>
      %dma_wait3A_202 = arith.constant 0 : i32
      %dma_wait3A_203 = arith.constant 0 : i32
      %dma_wait3A_204 = tpu.memref_slice %arg6[%dma_wait3A_202, %dma_wait3A_203] : memref<1000000x32xf32, #tpu.memory_space<hbm>> -> memref<128x32xf32, #tpu.memory_space<hbm>>
      tpu.wait_dma2 semaphore(%arg23 : memref<!tpu.dma_semaphore, #tpu.memory_space<semaphore_mem>>) src(%dma_wait3A_204 : memref<128x32xf32, #tpu.memory_space<hbm>>) dst(%arg13 : memref<128x32xf32, #tpu.memory_space<vmem>>)
      "tpu.region"() ({
        %run_scoped3A_315 = tpu.sem_alloc : memref<!tpu.dma_semaphore, #tpu.memory_space<semaphore_mem>>
        %dma_start3A_316 = arith.constant 0 : i32
        %dma_start3A_317 = tpu.memref_slice %arg11[%add3A_198, %dma_start3A_316] : memref<200x128xi32, #tpu.memory_space<vmem>> -> memref<1x128xi32, #tpu.memory_space<vmem>>
        %dma_start3A_318 = tpu.memref_squeeze %dma_start3A_317 : memref<1x128xi32, #tpu.memory_space<vmem>> -> memref<128xi32, #tpu.memory_space<vmem>>
        %dma_start3A_319 = arith.constant 0 : i32
        %dma_start3A_320 = arith.constant 0 : i32
        %dma_start3A_321 = tpu.memref_slice %arg21[%dma_start3A_319, %dma_start3A_320] : memref<8192x32xf32, #tpu.memory_space<vmem_shared>> -> memref<8192x32xf32, #tpu.memory_space<vmem_shared>>
        tpu.enqueue_indirect_dma source(%arg13 : memref<128x32xf32, #tpu.memory_space<vmem>>) target(%dma_start3A_321 : memref<8192x32xf32, #tpu.memory_space<vmem_shared>>) offsets(%dma_start3A_318 : memref<128xi32, #tpu.memory_space<vmem>>) semaphore(%run_scoped3A_315 : memref<!tpu.dma_semaphore, #tpu.memory_space<semaphore_mem>>) {add = true}
        %dma_wait3A_322 = arith.constant 0 : i32
        %dma_wait3A_323 = tpu.memref_slice %arg11[%add3A_198, %dma_wait3A_322] : memref<200x128xi32, #tpu.memory_space<vmem>> -> memref<1x128xi32, #tpu.memory_space<vmem>>
        %dma_wait3A_324 = tpu.memref_squeeze %dma_wait3A_323 : memref<1x128xi32, #tpu.memory_space<vmem>> -> memref<128xi32, #tpu.memory_space<vmem>>
        %dma_wait3A_325 = arith.constant 0 : i32
        %dma_wait3A_326 = arith.constant 0 : i32
        %dma_wait3A_327 = tpu.memref_slice %arg21[%dma_wait3A_325, %dma_wait3A_326] : memref<8192x32xf32, #tpu.memory_space<vmem_shared>> -> memref<8192x32xf32, #tpu.memory_space<vmem_shared>>
        tpu.wait_indirect_dma semaphore(%run_scoped3A_315 : memref<!tpu.dma_semaphore, #tpu.memory_space<semaphore_mem>>) src(%arg13 : memref<128x32xf32, #tpu.memory_space<vmem>>) dst(%dma_wait3A_327 : memref<8192x32xf32, #tpu.memory_space<vmem_shared>>)
        tpu.yield
      }) : () -> ()
      %add3A_205 = arith.constant 8 : i32
      %add3A_206 = arith.addi %add3A_198, %add3A_205 : i32
      %lt3A_207 = arith.constant 200 : i32
      %lt3A_208 = arith.cmpi slt, %add3A_206, %lt3A_207 : i32
      %convert_element_type3A_209 = arith.extui %lt3A_208 : i1 to i32
      %cond3A_210 = arith.constant 0 : i32
      %cond3A_211 = arith.cmpi ne, %convert_element_type3A_209, %cond3A_210 : i32
      scf.if %cond3A_211 {
        %dma_start3A_315 = arith.constant 0 : i32
        %dma_start3A_316 = tpu.memref_slice %arg10[%add3A_206, %dma_start3A_315] : memref<200x128xi32, #tpu.memory_space<vmem>> -> memref<1x128xi32, #tpu.memory_space<vmem>>
        %dma_start3A_317 = tpu.memref_squeeze %dma_start3A_316 : memref<1x128xi32, #tpu.memory_space<vmem>> -> memref<128xi32, #tpu.memory_space<vmem>>
        %dma_start3A_318 = arith.constant 0 : i32
        %dma_start3A_319 = arith.constant 0 : i32
        %dma_start3A_320 = tpu.memref_slice %arg6[%dma_start3A_318, %dma_start3A_319] : memref<1000000x32xf32, #tpu.memory_space<hbm>> -> memref<1000000x32xf32, #tpu.memory_space<hbm>>
        tpu.enqueue_indirect_dma source(%dma_start3A_320 : memref<1000000x32xf32, #tpu.memory_space<hbm>>) target(%arg13 : memref<128x32xf32, #tpu.memory_space<vmem>>) offsets(%dma_start3A_317 : memref<128xi32, #tpu.memory_space<vmem>>) semaphore(%arg23 : memref<!tpu.dma_semaphore, #tpu.memory_space<semaphore_mem>>)
      } else {
      }
      %mul3A_212 = arith.constant 8 : i32
      %mul3A_213 = arith.muli %scan3A_179, %mul3A_212 : i32
      %add3A_214 = arith.constant 2 : i32
      %add3A_215 = arith.addi %mul3A_213, %add3A_214 : i32
      %dma_wait3A_216 = arith.constant 0 : i32
      %dma_wait3A_217 = arith.constant 0 : i32
      %dma_wait3A_218 = tpu.memref_slice %arg6[%dma_wait3A_216, %dma_wait3A_217] : memref<1000000x32xf32, #tpu.memory_space<hbm>> -> memref<128x32xf32, #tpu.memory_space<hbm>>
      %dma_wait3A_219 = arith.constant 0 : i32
      %dma_wait3A_220 = arith.constant 0 : i32
      %dma_wait3A_221 = tpu.memref_slice %arg6[%dma_wait3A_219, %dma_wait3A_220] : memref<1000000x32xf32, #tpu.memory_space<hbm>> -> memref<128x32xf32, #tpu.memory_space<hbm>>
      tpu.wait_dma2 semaphore(%arg24 : memref<!tpu.dma_semaphore, #tpu.memory_space<semaphore_mem>>) src(%dma_wait3A_221 : memref<128x32xf32, #tpu.memory_space<hbm>>) dst(%arg14 : memref<128x32xf32, #tpu.memory_space<vmem>>)
      "tpu.region"() ({
        %run_scoped3A_315 = tpu.sem_alloc : memref<!tpu.dma_semaphore, #tpu.memory_space<semaphore_mem>>
        %dma_start3A_316 = arith.constant 0 : i32
        %dma_start3A_317 = tpu.memref_slice %arg11[%add3A_215, %dma_start3A_316] : memref<200x128xi32, #tpu.memory_space<vmem>> -> memref<1x128xi32, #tpu.memory_space<vmem>>
        %dma_start3A_318 = tpu.memref_squeeze %dma_start3A_317 : memref<1x128xi32, #tpu.memory_space<vmem>> -> memref<128xi32, #tpu.memory_space<vmem>>
        %dma_start3A_319 = arith.constant 0 : i32
        %dma_start3A_320 = arith.constant 0 : i32
        %dma_start3A_321 = tpu.memref_slice %arg21[%dma_start3A_319, %dma_start3A_320] : memref<8192x32xf32, #tpu.memory_space<vmem_shared>> -> memref<8192x32xf32, #tpu.memory_space<vmem_shared>>
        tpu.enqueue_indirect_dma source(%arg14 : memref<128x32xf32, #tpu.memory_space<vmem>>) target(%dma_start3A_321 : memref<8192x32xf32, #tpu.memory_space<vmem_shared>>) offsets(%dma_start3A_318 : memref<128xi32, #tpu.memory_space<vmem>>) semaphore(%run_scoped3A_315 : memref<!tpu.dma_semaphore, #tpu.memory_space<semaphore_mem>>) {add = true}
        %dma_wait3A_322 = arith.constant 0 : i32
        %dma_wait3A_323 = tpu.memref_slice %arg11[%add3A_215, %dma_wait3A_322] : memref<200x128xi32, #tpu.memory_space<vmem>> -> memref<1x128xi32, #tpu.memory_space<vmem>>
        %dma_wait3A_324 = tpu.memref_squeeze %dma_wait3A_323 : memref<1x128xi32, #tpu.memory_space<vmem>> -> memref<128xi32, #tpu.memory_space<vmem>>
        %dma_wait3A_325 = arith.constant 0 : i32
        %dma_wait3A_326 = arith.constant 0 : i32
        %dma_wait3A_327 = tpu.memref_slice %arg21[%dma_wait3A_325, %dma_wait3A_326] : memref<8192x32xf32, #tpu.memory_space<vmem_shared>> -> memref<8192x32xf32, #tpu.memory_space<vmem_shared>>
        tpu.wait_indirect_dma semaphore(%run_scoped3A_315 : memref<!tpu.dma_semaphore, #tpu.memory_space<semaphore_mem>>) src(%arg14 : memref<128x32xf32, #tpu.memory_space<vmem>>) dst(%dma_wait3A_327 : memref<8192x32xf32, #tpu.memory_space<vmem_shared>>)
        tpu.yield
      }) : () -> ()
      %add3A_222 = arith.constant 8 : i32
      %add3A_223 = arith.addi %add3A_215, %add3A_222 : i32
      %lt3A_224 = arith.constant 200 : i32
      %lt3A_225 = arith.cmpi slt, %add3A_223, %lt3A_224 : i32
      %convert_element_type3A_226 = arith.extui %lt3A_225 : i1 to i32
      %cond3A_227 = arith.constant 0 : i32
      %cond3A_228 = arith.cmpi ne, %convert_element_type3A_226, %cond3A_227 : i32
      scf.if %cond3A_228 {
        %dma_start3A_315 = arith.constant 0 : i32
        %dma_start3A_316 = tpu.memref_slice %arg10[%add3A_223, %dma_start3A_315] : memref<200x128xi32, #tpu.memory_space<vmem>> -> memref<1x128xi32, #tpu.memory_space<vmem>>
        %dma_start3A_317 = tpu.memref_squeeze %dma_start3A_316 : memref<1x128xi32, #tpu.memory_space<vmem>> -> memref<128xi32, #tpu.memory_space<vmem>>
        %dma_start3A_318 = arith.constant 0 : i32
        %dma_start3A_319 = arith.constant 0 : i32
        %dma_start3A_320 = tpu.memref_slice %arg6[%dma_start3A_318, %dma_start3A_319] : memref<1000000x32xf32, #tpu.memory_space<hbm>> -> memref<1000000x32xf32, #tpu.memory_space<hbm>>
        tpu.enqueue_indirect_dma source(%dma_start3A_320 : memref<1000000x32xf32, #tpu.memory_space<hbm>>) target(%arg14 : memref<128x32xf32, #tpu.memory_space<vmem>>) offsets(%dma_start3A_317 : memref<128xi32, #tpu.memory_space<vmem>>) semaphore(%arg24 : memref<!tpu.dma_semaphore, #tpu.memory_space<semaphore_mem>>)
      } else {
      }
      %mul3A_229 = arith.constant 8 : i32
      %mul3A_230 = arith.muli %scan3A_179, %mul3A_229 : i32
      %add3A_231 = arith.constant 3 : i32
      %add3A_232 = arith.addi %mul3A_230, %add3A_231 : i32
      %dma_wait3A_233 = arith.constant 0 : i32
      %dma_wait3A_234 = arith.constant 0 : i32
      %dma_wait3A_235 = tpu.memref_slice %arg6[%dma_wait3A_233, %dma_wait3A_234] : memref<1000000x32xf32, #tpu.memory_space<hbm>> -> memref<128x32xf32, #tpu.memory_space<hbm>>
      %dma_wait3A_236 = arith.constant 0 : i32
      %dma_wait3A_237 = arith.constant 0 : i32
      %dma_wait3A_238 = tpu.memref_slice %arg6[%dma_wait3A_236, %dma_wait3A_237] : memref<1000000x32xf32, #tpu.memory_space<hbm>> -> memref<128x32xf32, #tpu.memory_space<hbm>>
      tpu.wait_dma2 semaphore(%arg25 : memref<!tpu.dma_semaphore, #tpu.memory_space<semaphore_mem>>) src(%dma_wait3A_238 : memref<128x32xf32, #tpu.memory_space<hbm>>) dst(%arg15 : memref<128x32xf32, #tpu.memory_space<vmem>>)
      "tpu.region"() ({
        %run_scoped3A_315 = tpu.sem_alloc : memref<!tpu.dma_semaphore, #tpu.memory_space<semaphore_mem>>
        %dma_start3A_316 = arith.constant 0 : i32
        %dma_start3A_317 = tpu.memref_slice %arg11[%add3A_232, %dma_start3A_316] : memref<200x128xi32, #tpu.memory_space<vmem>> -> memref<1x128xi32, #tpu.memory_space<vmem>>
        %dma_start3A_318 = tpu.memref_squeeze %dma_start3A_317 : memref<1x128xi32, #tpu.memory_space<vmem>> -> memref<128xi32, #tpu.memory_space<vmem>>
        %dma_start3A_319 = arith.constant 0 : i32
        %dma_start3A_320 = arith.constant 0 : i32
        %dma_start3A_321 = tpu.memref_slice %arg21[%dma_start3A_319, %dma_start3A_320] : memref<8192x32xf32, #tpu.memory_space<vmem_shared>> -> memref<8192x32xf32, #tpu.memory_space<vmem_shared>>
        tpu.enqueue_indirect_dma source(%arg15 : memref<128x32xf32, #tpu.memory_space<vmem>>) target(%dma_start3A_321 : memref<8192x32xf32, #tpu.memory_space<vmem_shared>>) offsets(%dma_start3A_318 : memref<128xi32, #tpu.memory_space<vmem>>) semaphore(%run_scoped3A_315 : memref<!tpu.dma_semaphore, #tpu.memory_space<semaphore_mem>>) {add = true}
        %dma_wait3A_322 = arith.constant 0 : i32
        %dma_wait3A_323 = tpu.memref_slice %arg11[%add3A_232, %dma_wait3A_322] : memref<200x128xi32, #tpu.memory_space<vmem>> -> memref<1x128xi32, #tpu.memory_space<vmem>>
        %dma_wait3A_324 = tpu.memref_squeeze %dma_wait3A_323 : memref<1x128xi32, #tpu.memory_space<vmem>> -> memref<128xi32, #tpu.memory_space<vmem>>
        %dma_wait3A_325 = arith.constant 0 : i32
        %dma_wait3A_326 = arith.constant 0 : i32
        %dma_wait3A_327 = tpu.memref_slice %arg21[%dma_wait3A_325, %dma_wait3A_326] : memref<8192x32xf32, #tpu.memory_space<vmem_shared>> -> memref<8192x32xf32, #tpu.memory_space<vmem_shared>>
        tpu.wait_indirect_dma semaphore(%run_scoped3A_315 : memref<!tpu.dma_semaphore, #tpu.memory_space<semaphore_mem>>) src(%arg15 : memref<128x32xf32, #tpu.memory_space<vmem>>) dst(%dma_wait3A_327 : memref<8192x32xf32, #tpu.memory_space<vmem_shared>>)
        tpu.yield
      }) : () -> ()
      %add3A_239 = arith.constant 8 : i32
      %add3A_240 = arith.addi %add3A_232, %add3A_239 : i32
      %lt3A_241 = arith.constant 200 : i32
      %lt3A_242 = arith.cmpi slt, %add3A_240, %lt3A_241 : i32
      %convert_element_type3A_243 = arith.extui %lt3A_242 : i1 to i32
      %cond3A_244 = arith.constant 0 : i32
      %cond3A_245 = arith.cmpi ne, %convert_element_type3A_243, %cond3A_244 : i32
      scf.if %cond3A_245 {
        %dma_start3A_315 = arith.constant 0 : i32
        %dma_start3A_316 = tpu.memref_slice %arg10[%add3A_240, %dma_start3A_315] : memref<200x128xi32, #tpu.memory_space<vmem>> -> memref<1x128xi32, #tpu.memory_space<vmem>>
        %dma_start3A_317 = tpu.memref_squeeze %dma_start3A_316 : memref<1x128xi32, #tpu.memory_space<vmem>> -> memref<128xi32, #tpu.memory_space<vmem>>
        %dma_start3A_318 = arith.constant 0 : i32
        %dma_start3A_319 = arith.constant 0 : i32
        %dma_start3A_320 = tpu.memref_slice %arg6[%dma_start3A_318, %dma_start3A_319] : memref<1000000x32xf32, #tpu.memory_space<hbm>> -> memref<1000000x32xf32, #tpu.memory_space<hbm>>
        tpu.enqueue_indirect_dma source(%dma_start3A_320 : memref<1000000x32xf32, #tpu.memory_space<hbm>>) target(%arg15 : memref<128x32xf32, #tpu.memory_space<vmem>>) offsets(%dma_start3A_317 : memref<128xi32, #tpu.memory_space<vmem>>) semaphore(%arg25 : memref<!tpu.dma_semaphore, #tpu.memory_space<semaphore_mem>>)
      } else {
      }
      %mul3A_246 = arith.constant 8 : i32
      %mul3A_247 = arith.muli %scan3A_179, %mul3A_246 : i32
      %add3A_248 = arith.constant 4 : i32
      %add3A_249 = arith.addi %mul3A_247, %add3A_248 : i32
      %dma_wait3A_250 = arith.constant 0 : i32
      %dma_wait3A_251 = arith.constant 0 : i32
      %dma_wait3A_252 = tpu.memref_slice %arg6[%dma_wait3A_250, %dma_wait3A_251] : memref<1000000x32xf32, #tpu.memory_space<hbm>> -> memref<128x32xf32, #tpu.memory_space<hbm>>
      %dma_wait3A_253 = arith.constant 0 : i32
      %dma_wait3A_254 = arith.constant 0 : i32
      %dma_wait3A_255 = tpu.memref_slice %arg6[%dma_wait3A_253, %dma_wait3A_254] : memref<1000000x32xf32, #tpu.memory_space<hbm>> -> memref<128x32xf32, #tpu.memory_space<hbm>>
      tpu.wait_dma2 semaphore(%arg26 : memref<!tpu.dma_semaphore, #tpu.memory_space<semaphore_mem>>) src(%dma_wait3A_255 : memref<128x32xf32, #tpu.memory_space<hbm>>) dst(%arg16 : memref<128x32xf32, #tpu.memory_space<vmem>>)
      "tpu.region"() ({
        %run_scoped3A_315 = tpu.sem_alloc : memref<!tpu.dma_semaphore, #tpu.memory_space<semaphore_mem>>
        %dma_start3A_316 = arith.constant 0 : i32
        %dma_start3A_317 = tpu.memref_slice %arg11[%add3A_249, %dma_start3A_316] : memref<200x128xi32, #tpu.memory_space<vmem>> -> memref<1x128xi32, #tpu.memory_space<vmem>>
        %dma_start3A_318 = tpu.memref_squeeze %dma_start3A_317 : memref<1x128xi32, #tpu.memory_space<vmem>> -> memref<128xi32, #tpu.memory_space<vmem>>
        %dma_start3A_319 = arith.constant 0 : i32
        %dma_start3A_320 = arith.constant 0 : i32
        %dma_start3A_321 = tpu.memref_slice %arg21[%dma_start3A_319, %dma_start3A_320] : memref<8192x32xf32, #tpu.memory_space<vmem_shared>> -> memref<8192x32xf32, #tpu.memory_space<vmem_shared>>
        tpu.enqueue_indirect_dma source(%arg16 : memref<128x32xf32, #tpu.memory_space<vmem>>) target(%dma_start3A_321 : memref<8192x32xf32, #tpu.memory_space<vmem_shared>>) offsets(%dma_start3A_318 : memref<128xi32, #tpu.memory_space<vmem>>) semaphore(%run_scoped3A_315 : memref<!tpu.dma_semaphore, #tpu.memory_space<semaphore_mem>>) {add = true}
        %dma_wait3A_322 = arith.constant 0 : i32
        %dma_wait3A_323 = tpu.memref_slice %arg11[%add3A_249, %dma_wait3A_322] : memref<200x128xi32, #tpu.memory_space<vmem>> -> memref<1x128xi32, #tpu.memory_space<vmem>>
        %dma_wait3A_324 = tpu.memref_squeeze %dma_wait3A_323 : memref<1x128xi32, #tpu.memory_space<vmem>> -> memref<128xi32, #tpu.memory_space<vmem>>
        %dma_wait3A_325 = arith.constant 0 : i32
        %dma_wait3A_326 = arith.constant 0 : i32
        %dma_wait3A_327 = tpu.memref_slice %arg21[%dma_wait3A_325, %dma_wait3A_326] : memref<8192x32xf32, #tpu.memory_space<vmem_shared>> -> memref<8192x32xf32, #tpu.memory_space<vmem_shared>>
        tpu.wait_indirect_dma semaphore(%run_scoped3A_315 : memref<!tpu.dma_semaphore, #tpu.memory_space<semaphore_mem>>) src(%arg16 : memref<128x32xf32, #tpu.memory_space<vmem>>) dst(%dma_wait3A_327 : memref<8192x32xf32, #tpu.memory_space<vmem_shared>>)
        tpu.yield
      }) : () -> ()
      %add3A_256 = arith.constant 8 : i32
      %add3A_257 = arith.addi %add3A_249, %add3A_256 : i32
      %lt3A_258 = arith.constant 200 : i32
      %lt3A_259 = arith.cmpi slt, %add3A_257, %lt3A_258 : i32
      %convert_element_type3A_260 = arith.extui %lt3A_259 : i1 to i32
      %cond3A_261 = arith.constant 0 : i32
      %cond3A_262 = arith.cmpi ne, %convert_element_type3A_260, %cond3A_261 : i32
      scf.if %cond3A_262 {
        %dma_start3A_315 = arith.constant 0 : i32
        %dma_start3A_316 = tpu.memref_slice %arg10[%add3A_257, %dma_start3A_315] : memref<200x128xi32, #tpu.memory_space<vmem>> -> memref<1x128xi32, #tpu.memory_space<vmem>>
        %dma_start3A_317 = tpu.memref_squeeze %dma_start3A_316 : memref<1x128xi32, #tpu.memory_space<vmem>> -> memref<128xi32, #tpu.memory_space<vmem>>
        %dma_start3A_318 = arith.constant 0 : i32
        %dma_start3A_319 = arith.constant 0 : i32
        %dma_start3A_320 = tpu.memref_slice %arg6[%dma_start3A_318, %dma_start3A_319] : memref<1000000x32xf32, #tpu.memory_space<hbm>> -> memref<1000000x32xf32, #tpu.memory_space<hbm>>
        tpu.enqueue_indirect_dma source(%dma_start3A_320 : memref<1000000x32xf32, #tpu.memory_space<hbm>>) target(%arg16 : memref<128x32xf32, #tpu.memory_space<vmem>>) offsets(%dma_start3A_317 : memref<128xi32, #tpu.memory_space<vmem>>) semaphore(%arg26 : memref<!tpu.dma_semaphore, #tpu.memory_space<semaphore_mem>>)
      } else {
      }
      %mul3A_263 = arith.constant 8 : i32
      %mul3A_264 = arith.muli %scan3A_179, %mul3A_263 : i32
      %add3A_265 = arith.constant 5 : i32
      %add3A_266 = arith.addi %mul3A_264, %add3A_265 : i32
      %dma_wait3A_267 = arith.constant 0 : i32
      %dma_wait3A_268 = arith.constant 0 : i32
      %dma_wait3A_269 = tpu.memref_slice %arg6[%dma_wait3A_267, %dma_wait3A_268] : memref<1000000x32xf32, #tpu.memory_space<hbm>> -> memref<128x32xf32, #tpu.memory_space<hbm>>
      %dma_wait3A_270 = arith.constant 0 : i32
      %dma_wait3A_271 = arith.constant 0 : i32
      %dma_wait3A_272 = tpu.memref_slice %arg6[%dma_wait3A_270, %dma_wait3A_271] : memref<1000000x32xf32, #tpu.memory_space<hbm>> -> memref<128x32xf32, #tpu.memory_space<hbm>>
      tpu.wait_dma2 semaphore(%arg27 : memref<!tpu.dma_semaphore, #tpu.memory_space<semaphore_mem>>) src(%dma_wait3A_272 : memref<128x32xf32, #tpu.memory_space<hbm>>) dst(%arg17 : memref<128x32xf32, #tpu.memory_space<vmem>>)
      "tpu.region"() ({
        %run_scoped3A_315 = tpu.sem_alloc : memref<!tpu.dma_semaphore, #tpu.memory_space<semaphore_mem>>
        %dma_start3A_316 = arith.constant 0 : i32
        %dma_start3A_317 = tpu.memref_slice %arg11[%add3A_266, %dma_start3A_316] : memref<200x128xi32, #tpu.memory_space<vmem>> -> memref<1x128xi32, #tpu.memory_space<vmem>>
        %dma_start3A_318 = tpu.memref_squeeze %dma_start3A_317 : memref<1x128xi32, #tpu.memory_space<vmem>> -> memref<128xi32, #tpu.memory_space<vmem>>
        %dma_start3A_319 = arith.constant 0 : i32
        %dma_start3A_320 = arith.constant 0 : i32
        %dma_start3A_321 = tpu.memref_slice %arg21[%dma_start3A_319, %dma_start3A_320] : memref<8192x32xf32, #tpu.memory_space<vmem_shared>> -> memref<8192x32xf32, #tpu.memory_space<vmem_shared>>
        tpu.enqueue_indirect_dma source(%arg17 : memref<128x32xf32, #tpu.memory_space<vmem>>) target(%dma_start3A_321 : memref<8192x32xf32, #tpu.memory_space<vmem_shared>>) offsets(%dma_start3A_318 : memref<128xi32, #tpu.memory_space<vmem>>) semaphore(%run_scoped3A_315 : memref<!tpu.dma_semaphore, #tpu.memory_space<semaphore_mem>>) {add = true}
        %dma_wait3A_322 = arith.constant 0 : i32
        %dma_wait3A_323 = tpu.memref_slice %arg11[%add3A_266, %dma_wait3A_322] : memref<200x128xi32, #tpu.memory_space<vmem>> -> memref<1x128xi32, #tpu.memory_space<vmem>>
        %dma_wait3A_324 = tpu.memref_squeeze %dma_wait3A_323 : memref<1x128xi32, #tpu.memory_space<vmem>> -> memref<128xi32, #tpu.memory_space<vmem>>
        %dma_wait3A_325 = arith.constant 0 : i32
        %dma_wait3A_326 = arith.constant 0 : i32
        %dma_wait3A_327 = tpu.memref_slice %arg21[%dma_wait3A_325, %dma_wait3A_326] : memref<8192x32xf32, #tpu.memory_space<vmem_shared>> -> memref<8192x32xf32, #tpu.memory_space<vmem_shared>>
        tpu.wait_indirect_dma semaphore(%run_scoped3A_315 : memref<!tpu.dma_semaphore, #tpu.memory_space<semaphore_mem>>) src(%arg17 : memref<128x32xf32, #tpu.memory_space<vmem>>) dst(%dma_wait3A_327 : memref<8192x32xf32, #tpu.memory_space<vmem_shared>>)
        tpu.yield
      }) : () -> ()
      %add3A_273 = arith.constant 8 : i32
      %add3A_274 = arith.addi %add3A_266, %add3A_273 : i32
      %lt3A_275 = arith.constant 200 : i32
      %lt3A_276 = arith.cmpi slt, %add3A_274, %lt3A_275 : i32
      %convert_element_type3A_277 = arith.extui %lt3A_276 : i1 to i32
      %cond3A_278 = arith.constant 0 : i32
      %cond3A_279 = arith.cmpi ne, %convert_element_type3A_277, %cond3A_278 : i32
      scf.if %cond3A_279 {
        %dma_start3A_315 = arith.constant 0 : i32
        %dma_start3A_316 = tpu.memref_slice %arg10[%add3A_274, %dma_start3A_315] : memref<200x128xi32, #tpu.memory_space<vmem>> -> memref<1x128xi32, #tpu.memory_space<vmem>>
        %dma_start3A_317 = tpu.memref_squeeze %dma_start3A_316 : memref<1x128xi32, #tpu.memory_space<vmem>> -> memref<128xi32, #tpu.memory_space<vmem>>
        %dma_start3A_318 = arith.constant 0 : i32
        %dma_start3A_319 = arith.constant 0 : i32
        %dma_start3A_320 = tpu.memref_slice %arg6[%dma_start3A_318, %dma_start3A_319] : memref<1000000x32xf32, #tpu.memory_space<hbm>> -> memref<1000000x32xf32, #tpu.memory_space<hbm>>
        tpu.enqueue_indirect_dma source(%dma_start3A_320 : memref<1000000x32xf32, #tpu.memory_space<hbm>>) target(%arg17 : memref<128x32xf32, #tpu.memory_space<vmem>>) offsets(%dma_start3A_317 : memref<128xi32, #tpu.memory_space<vmem>>) semaphore(%arg27 : memref<!tpu.dma_semaphore, #tpu.memory_space<semaphore_mem>>)
      } else {
      }
      %mul3A_280 = arith.constant 8 : i32
      %mul3A_281 = arith.muli %scan3A_179, %mul3A_280 : i32
      %add3A_282 = arith.constant 6 : i32
      %add3A_283 = arith.addi %mul3A_281, %add3A_282 : i32
      %dma_wait3A_284 = arith.constant 0 : i32
      %dma_wait3A_285 = arith.constant 0 : i32
      %dma_wait3A_286 = tpu.memref_slice %arg6[%dma_wait3A_284, %dma_wait3A_285] : memref<1000000x32xf32, #tpu.memory_space<hbm>> -> memref<128x32xf32, #tpu.memory_space<hbm>>
      %dma_wait3A_287 = arith.constant 0 : i32
      %dma_wait3A_288 = arith.constant 0 : i32
      %dma_wait3A_289 = tpu.memref_slice %arg6[%dma_wait3A_287, %dma_wait3A_288] : memref<1000000x32xf32, #tpu.memory_space<hbm>> -> memref<128x32xf32, #tpu.memory_space<hbm>>
      tpu.wait_dma2 semaphore(%arg28 : memref<!tpu.dma_semaphore, #tpu.memory_space<semaphore_mem>>) src(%dma_wait3A_289 : memref<128x32xf32, #tpu.memory_space<hbm>>) dst(%arg18 : memref<128x32xf32, #tpu.memory_space<vmem>>)
      "tpu.region"() ({
        %run_scoped3A_315 = tpu.sem_alloc : memref<!tpu.dma_semaphore, #tpu.memory_space<semaphore_mem>>
        %dma_start3A_316 = arith.constant 0 : i32
        %dma_start3A_317 = tpu.memref_slice %arg11[%add3A_283, %dma_start3A_316] : memref<200x128xi32, #tpu.memory_space<vmem>> -> memref<1x128xi32, #tpu.memory_space<vmem>>
        %dma_start3A_318 = tpu.memref_squeeze %dma_start3A_317 : memref<1x128xi32, #tpu.memory_space<vmem>> -> memref<128xi32, #tpu.memory_space<vmem>>
        %dma_start3A_319 = arith.constant 0 : i32
        %dma_start3A_320 = arith.constant 0 : i32
        %dma_start3A_321 = tpu.memref_slice %arg21[%dma_start3A_319, %dma_start3A_320] : memref<8192x32xf32, #tpu.memory_space<vmem_shared>> -> memref<8192x32xf32, #tpu.memory_space<vmem_shared>>
        tpu.enqueue_indirect_dma source(%arg18 : memref<128x32xf32, #tpu.memory_space<vmem>>) target(%dma_start3A_321 : memref<8192x32xf32, #tpu.memory_space<vmem_shared>>) offsets(%dma_start3A_318 : memref<128xi32, #tpu.memory_space<vmem>>) semaphore(%run_scoped3A_315 : memref<!tpu.dma_semaphore, #tpu.memory_space<semaphore_mem>>) {add = true}
        %dma_wait3A_322 = arith.constant 0 : i32
        %dma_wait3A_323 = tpu.memref_slice %arg11[%add3A_283, %dma_wait3A_322] : memref<200x128xi32, #tpu.memory_space<vmem>> -> memref<1x128xi32, #tpu.memory_space<vmem>>
        %dma_wait3A_324 = tpu.memref_squeeze %dma_wait3A_323 : memref<1x128xi32, #tpu.memory_space<vmem>> -> memref<128xi32, #tpu.memory_space<vmem>>
        %dma_wait3A_325 = arith.constant 0 : i32
        %dma_wait3A_326 = arith.constant 0 : i32
        %dma_wait3A_327 = tpu.memref_slice %arg21[%dma_wait3A_325, %dma_wait3A_326] : memref<8192x32xf32, #tpu.memory_space<vmem_shared>> -> memref<8192x32xf32, #tpu.memory_space<vmem_shared>>
        tpu.wait_indirect_dma semaphore(%run_scoped3A_315 : memref<!tpu.dma_semaphore, #tpu.memory_space<semaphore_mem>>) src(%arg18 : memref<128x32xf32, #tpu.memory_space<vmem>>) dst(%dma_wait3A_327 : memref<8192x32xf32, #tpu.memory_space<vmem_shared>>)
        tpu.yield
      }) : () -> ()
      %add3A_290 = arith.constant 8 : i32
      %add3A_291 = arith.addi %add3A_283, %add3A_290 : i32
      %lt3A_292 = arith.constant 200 : i32
      %lt3A_293 = arith.cmpi slt, %add3A_291, %lt3A_292 : i32
      %convert_element_type3A_294 = arith.extui %lt3A_293 : i1 to i32
      %cond3A_295 = arith.constant 0 : i32
      %cond3A_296 = arith.cmpi ne, %convert_element_type3A_294, %cond3A_295 : i32
      scf.if %cond3A_296 {
        %dma_start3A_315 = arith.constant 0 : i32
        %dma_start3A_316 = tpu.memref_slice %arg10[%add3A_291, %dma_start3A_315] : memref<200x128xi32, #tpu.memory_space<vmem>> -> memref<1x128xi32, #tpu.memory_space<vmem>>
        %dma_start3A_317 = tpu.memref_squeeze %dma_start3A_316 : memref<1x128xi32, #tpu.memory_space<vmem>> -> memref<128xi32, #tpu.memory_space<vmem>>
        %dma_start3A_318 = arith.constant 0 : i32
        %dma_start3A_319 = arith.constant 0 : i32
        %dma_start3A_320 = tpu.memref_slice %arg6[%dma_start3A_318, %dma_start3A_319] : memref<1000000x32xf32, #tpu.memory_space<hbm>> -> memref<1000000x32xf32, #tpu.memory_space<hbm>>
        tpu.enqueue_indirect_dma source(%dma_start3A_320 : memref<1000000x32xf32, #tpu.memory_space<hbm>>) target(%arg18 : memref<128x32xf32, #tpu.memory_space<vmem>>) offsets(%dma_start3A_317 : memref<128xi32, #tpu.memory_space<vmem>>) semaphore(%arg28 : memref<!tpu.dma_semaphore, #tpu.memory_space<semaphore_mem>>)
      } else {
      }
      %mul3A_297 = arith.constant 8 : i32
      %mul3A_298 = arith.muli %scan3A_179, %mul3A_297 : i32
      %add3A_299 = arith.constant 7 : i32
      %add3A_300 = arith.addi %mul3A_298, %add3A_299 : i32
      %dma_wait3A_301 = arith.constant 0 : i32
      %dma_wait3A_302 = arith.constant 0 : i32
      %dma_wait3A_303 = tpu.memref_slice %arg6[%dma_wait3A_301, %dma_wait3A_302] : memref<1000000x32xf32, #tpu.memory_space<hbm>> -> memref<128x32xf32, #tpu.memory_space<hbm>>
      %dma_wait3A_304 = arith.constant 0 : i32
      %dma_wait3A_305 = arith.constant 0 : i32
      %dma_wait3A_306 = tpu.memref_slice %arg6[%dma_wait3A_304, %dma_wait3A_305] : memref<1000000x32xf32, #tpu.memory_space<hbm>> -> memref<128x32xf32, #tpu.memory_space<hbm>>
      tpu.wait_dma2 semaphore(%arg29 : memref<!tpu.dma_semaphore, #tpu.memory_space<semaphore_mem>>) src(%dma_wait3A_306 : memref<128x32xf32, #tpu.memory_space<hbm>>) dst(%arg19 : memref<128x32xf32, #tpu.memory_space<vmem>>)
      "tpu.region"() ({
        %run_scoped3A_315 = tpu.sem_alloc : memref<!tpu.dma_semaphore, #tpu.memory_space<semaphore_mem>>
        %dma_start3A_316 = arith.constant 0 : i32
        %dma_start3A_317 = tpu.memref_slice %arg11[%add3A_300, %dma_start3A_316] : memref<200x128xi32, #tpu.memory_space<vmem>> -> memref<1x128xi32, #tpu.memory_space<vmem>>
        %dma_start3A_318 = tpu.memref_squeeze %dma_start3A_317 : memref<1x128xi32, #tpu.memory_space<vmem>> -> memref<128xi32, #tpu.memory_space<vmem>>
        %dma_start3A_319 = arith.constant 0 : i32
        %dma_start3A_320 = arith.constant 0 : i32
        %dma_start3A_321 = tpu.memref_slice %arg21[%dma_start3A_319, %dma_start3A_320] : memref<8192x32xf32, #tpu.memory_space<vmem_shared>> -> memref<8192x32xf32, #tpu.memory_space<vmem_shared>>
        tpu.enqueue_indirect_dma source(%arg19 : memref<128x32xf32, #tpu.memory_space<vmem>>) target(%dma_start3A_321 : memref<8192x32xf32, #tpu.memory_space<vmem_shared>>) offsets(%dma_start3A_318 : memref<128xi32, #tpu.memory_space<vmem>>) semaphore(%run_scoped3A_315 : memref<!tpu.dma_semaphore, #tpu.memory_space<semaphore_mem>>) {add = true}
        %dma_wait3A_322 = arith.constant 0 : i32
        %dma_wait3A_323 = tpu.memref_slice %arg11[%add3A_300, %dma_wait3A_322] : memref<200x128xi32, #tpu.memory_space<vmem>> -> memref<1x128xi32, #tpu.memory_space<vmem>>
        %dma_wait3A_324 = tpu.memref_squeeze %dma_wait3A_323 : memref<1x128xi32, #tpu.memory_space<vmem>> -> memref<128xi32, #tpu.memory_space<vmem>>
        %dma_wait3A_325 = arith.constant 0 : i32
        %dma_wait3A_326 = arith.constant 0 : i32
        %dma_wait3A_327 = tpu.memref_slice %arg21[%dma_wait3A_325, %dma_wait3A_326] : memref<8192x32xf32, #tpu.memory_space<vmem_shared>> -> memref<8192x32xf32, #tpu.memory_space<vmem_shared>>
        tpu.wait_indirect_dma semaphore(%run_scoped3A_315 : memref<!tpu.dma_semaphore, #tpu.memory_space<semaphore_mem>>) src(%arg19 : memref<128x32xf32, #tpu.memory_space<vmem>>) dst(%dma_wait3A_327 : memref<8192x32xf32, #tpu.memory_space<vmem_shared>>)
        tpu.yield
      }) : () -> ()
      %add3A_307 = arith.constant 8 : i32
      %add3A_308 = arith.addi %add3A_300, %add3A_307 : i32
      %lt3A_309 = arith.constant 200 : i32
      %lt3A_310 = arith.cmpi slt, %add3A_308, %lt3A_309 : i32
      %convert_element_type3A_311 = arith.extui %lt3A_310 : i1 to i32
      %cond3A_312 = arith.constant 0 : i32
      %cond3A_313 = arith.cmpi ne, %convert_element_type3A_311, %cond3A_312 : i32
      scf.if %cond3A_313 {
        %dma_start3A_315 = arith.constant 0 : i32
        %dma_start3A_316 = tpu.memref_slice %arg10[%add3A_308, %dma_start3A_315] : memref<200x128xi32, #tpu.memory_space<vmem>> -> memref<1x128xi32, #tpu.memory_space<vmem>>
        %dma_start3A_317 = tpu.memref_squeeze %dma_start3A_316 : memref<1x128xi32, #tpu.memory_space<vmem>> -> memref<128xi32, #tpu.memory_space<vmem>>
        %dma_start3A_318 = arith.constant 0 : i32
        %dma_start3A_319 = arith.constant 0 : i32
        %dma_start3A_320 = tpu.memref_slice %arg6[%dma_start3A_318, %dma_start3A_319] : memref<1000000x32xf32, #tpu.memory_space<hbm>> -> memref<1000000x32xf32, #tpu.memory_space<hbm>>
        tpu.enqueue_indirect_dma source(%dma_start3A_320 : memref<1000000x32xf32, #tpu.memory_space<hbm>>) target(%arg19 : memref<128x32xf32, #tpu.memory_space<vmem>>) offsets(%dma_start3A_317 : memref<128xi32, #tpu.memory_space<vmem>>) semaphore(%arg29 : memref<!tpu.dma_semaphore, #tpu.memory_space<semaphore_mem>>)
      } else {
      }
      %scan3A_314 = arith.constant 0 : i32
      scf.yield %scan3A_314 : i32
    }
    %scan3A_152 = arith.constant 25 : i32
    %run_scoped3A = arith.constant 0 : i32
    "tpu.region"() ({
      %run_scoped3A_179 = tpu.sem_alloc : memref<!tpu.dma_semaphore, #tpu.memory_space<semaphore_mem>>
      %dma_start3A_180 = arith.constant 0 : i32
      %dma_start3A_181 = tpu.memref_slice %arg11[%run_scoped3A, %dma_start3A_180] : memref<200x128xi32, #tpu.memory_space<vmem>> -> memref<1x128xi32, #tpu.memory_space<vmem>>
      %dma_start3A_182 = tpu.memref_squeeze %dma_start3A_181 : memref<1x128xi32, #tpu.memory_space<vmem>> -> memref<128xi32, #tpu.memory_space<vmem>>
      %dma_start3A_183 = arith.constant 0 : i32
      %dma_start3A_184 = arith.constant 0 : i32
      %dma_start3A_185 = tpu.memref_slice %arg21[%dma_start3A_183, %dma_start3A_184] : memref<8192x32xf32, #tpu.memory_space<vmem_shared>> -> memref<8192x32xf32, #tpu.memory_space<vmem_shared>>
      tpu.enqueue_indirect_dma source(%arg20 : memref<128x32xf32, #tpu.memory_space<vmem>>) target(%dma_start3A_185 : memref<8192x32xf32, #tpu.memory_space<vmem_shared>>) offsets(%dma_start3A_182 : memref<128xi32, #tpu.memory_space<vmem>>) semaphore(%run_scoped3A_179 : memref<!tpu.dma_semaphore, #tpu.memory_space<semaphore_mem>>) {add = true}
      %dma_wait3A_186 = arith.constant 0 : i32
      %dma_wait3A_187 = tpu.memref_slice %arg11[%run_scoped3A, %dma_wait3A_186] : memref<200x128xi32, #tpu.memory_space<vmem>> -> memref<1x128xi32, #tpu.memory_space<vmem>>
      %dma_wait3A_188 = tpu.memref_squeeze %dma_wait3A_187 : memref<1x128xi32, #tpu.memory_space<vmem>> -> memref<128xi32, #tpu.memory_space<vmem>>
      %dma_wait3A_189 = arith.constant 0 : i32
      %dma_wait3A_190 = arith.constant 0 : i32
      %dma_wait3A_191 = tpu.memref_slice %arg21[%dma_wait3A_189, %dma_wait3A_190] : memref<8192x32xf32, #tpu.memory_space<vmem_shared>> -> memref<8192x32xf32, #tpu.memory_space<vmem_shared>>
      tpu.wait_indirect_dma semaphore(%run_scoped3A_179 : memref<!tpu.dma_semaphore, #tpu.memory_space<semaphore_mem>>) src(%arg20 : memref<128x32xf32, #tpu.memory_space<vmem>>) dst(%dma_wait3A_191 : memref<8192x32xf32, #tpu.memory_space<vmem_shared>>)
      tpu.yield
    }) : () -> ()
    %run_scoped3A_153 = arith.constant 0 : i32
    "tpu.region"() ({
      %run_scoped3A_179 = tpu.sem_alloc : memref<!tpu.dma_semaphore, #tpu.memory_space<semaphore_mem>>
      %dma_start3A_180 = arith.constant 0 : i32
      %dma_start3A_181 = tpu.memref_slice %arg11[%run_scoped3A_153, %dma_start3A_180] : memref<200x128xi32, #tpu.memory_space<vmem>> -> memref<1x128xi32, #tpu.memory_space<vmem>>
      %dma_start3A_182 = tpu.memref_squeeze %dma_start3A_181 : memref<1x128xi32, #tpu.memory_space<vmem>> -> memref<128xi32, #tpu.memory_space<vmem>>
      %dma_start3A_183 = arith.constant 0 : i32
      %dma_start3A_184 = arith.constant 0 : i32
      %dma_start3A_185 = tpu.memref_slice %arg21[%dma_start3A_183, %dma_start3A_184] : memref<8192x32xf32, #tpu.memory_space<vmem_shared>> -> memref<8192x32xf32, #tpu.memory_space<vmem_shared>>
      tpu.enqueue_indirect_dma source(%arg20 : memref<128x32xf32, #tpu.memory_space<vmem>>) target(%dma_start3A_185 : memref<8192x32xf32, #tpu.memory_space<vmem_shared>>) offsets(%dma_start3A_182 : memref<128xi32, #tpu.memory_space<vmem>>) semaphore(%run_scoped3A_179 : memref<!tpu.dma_semaphore, #tpu.memory_space<semaphore_mem>>) {add = true}
      %dma_wait3A_186 = arith.constant 0 : i32
      %dma_wait3A_187 = tpu.memref_slice %arg11[%run_scoped3A_153, %dma_wait3A_186] : memref<200x128xi32, #tpu.memory_space<vmem>> -> memref<1x128xi32, #tpu.memory_space<vmem>>
      %dma_wait3A_188 = tpu.memref_squeeze %dma_wait3A_187 : memref<1x128xi32, #tpu.memory_space<vmem>> -> memref<128xi32, #tpu.memory_space<vmem>>
      %dma_wait3A_189 = arith.constant 0 : i32
      %dma_wait3A_190 = arith.constant 0 : i32
      %dma_wait3A_191 = tpu.memref_slice %arg21[%dma_wait3A_189, %dma_wait3A_190] : memref<8192x32xf32, #tpu.memory_space<vmem_shared>> -> memref<8192x32xf32, #tpu.memory_space<vmem_shared>>
      tpu.wait_indirect_dma semaphore(%run_scoped3A_179 : memref<!tpu.dma_semaphore, #tpu.memory_space<semaphore_mem>>) src(%arg20 : memref<128x32xf32, #tpu.memory_space<vmem>>) dst(%dma_wait3A_191 : memref<8192x32xf32, #tpu.memory_space<vmem_shared>>)
      tpu.yield
    }) : () -> ()
    %run_scoped3A_154 = arith.constant 0 : i32
    "tpu.region"() ({
      %run_scoped3A_179 = tpu.sem_alloc : memref<!tpu.dma_semaphore, #tpu.memory_space<semaphore_mem>>
      %dma_start3A_180 = arith.constant 0 : i32
      %dma_start3A_181 = tpu.memref_slice %arg11[%run_scoped3A_154, %dma_start3A_180] : memref<200x128xi32, #tpu.memory_space<vmem>> -> memref<1x128xi32, #tpu.memory_space<vmem>>
      %dma_start3A_182 = tpu.memref_squeeze %dma_start3A_181 : memref<1x128xi32, #tpu.memory_space<vmem>> -> memref<128xi32, #tpu.memory_space<vmem>>
      %dma_start3A_183 = arith.constant 0 : i32
      %dma_start3A_184 = arith.constant 0 : i32
      %dma_start3A_185 = tpu.memref_slice %arg21[%dma_start3A_183, %dma_start3A_184] : memref<8192x32xf32, #tpu.memory_space<vmem_shared>> -> memref<8192x32xf32, #tpu.memory_space<vmem_shared>>
      tpu.enqueue_indirect_dma source(%arg20 : memref<128x32xf32, #tpu.memory_space<vmem>>) target(%dma_start3A_185 : memref<8192x32xf32, #tpu.memory_space<vmem_shared>>) offsets(%dma_start3A_182 : memref<128xi32, #tpu.memory_space<vmem>>) semaphore(%run_scoped3A_179 : memref<!tpu.dma_semaphore, #tpu.memory_space<semaphore_mem>>) {add = true}
      %dma_wait3A_186 = arith.constant 0 : i32
      %dma_wait3A_187 = tpu.memref_slice %arg11[%run_scoped3A_154, %dma_wait3A_186] : memref<200x128xi32, #tpu.memory_space<vmem>> -> memref<1x128xi32, #tpu.memory_space<vmem>>
      %dma_wait3A_188 = tpu.memref_squeeze %dma_wait3A_187 : memref<1x128xi32, #tpu.memory_space<vmem>> -> memref<128xi32, #tpu.memory_space<vmem>>
      %dma_wait3A_189 = arith.constant 0 : i32
      %dma_wait3A_190 = arith.constant 0 : i32
      %dma_wait3A_191 = tpu.memref_slice %arg21[%dma_wait3A_189, %dma_wait3A_190] : memref<8192x32xf32, #tpu.memory_space<vmem_shared>> -> memref<8192x32xf32, #tpu.memory_space<vmem_shared>>
      tpu.wait_indirect_dma semaphore(%run_scoped3A_179 : memref<!tpu.dma_semaphore, #tpu.memory_space<semaphore_mem>>) src(%arg20 : memref<128x32xf32, #tpu.memory_space<vmem>>) dst(%dma_wait3A_191 : memref<8192x32xf32, #tpu.memory_space<vmem_shared>>)
      tpu.yield
    }) : () -> ()
    %add3A_155 = arith.constant 0 : i32
    %add3A_156 = arith.addi %mul3A_2, %add3A_155 : i32
    "tpu.region"() ({
      %run_scoped3A_179 = tpu.sem_alloc : memref<!tpu.dma_semaphore, #tpu.memory_space<semaphore_mem>>
      %dma_start3A_180 = arith.constant 0 : i32
      %dma_start3A_181 = tpu.memref_slice %arg21[%add3A_156, %dma_start3A_180] : memref<8192x32xf32, #tpu.memory_space<vmem_shared>> -> memref<128x32xf32, #tpu.memory_space<vmem_shared>>
      %dma_start3A_182 = arith.constant 0 : i32
      %dma_start3A_183 = tpu.memref_slice %arg21[%add3A_156, %dma_start3A_182] : memref<8192x32xf32, #tpu.memory_space<vmem_shared>> -> memref<128x32xf32, #tpu.memory_space<vmem_shared>>
      tpu.enqueue_dma source(%dma_start3A_183 : memref<128x32xf32, #tpu.memory_space<vmem_shared>>) target(%arg12 : memref<128x32xf32, #tpu.memory_space<vmem>>) target_semaphore(%run_scoped3A_179 : memref<!tpu.dma_semaphore, #tpu.memory_space<semaphore_mem>>)
      %dma_wait3A_184 = arith.constant 0 : i32
      %dma_wait3A_185 = tpu.memref_slice %arg21[%add3A_156, %dma_wait3A_184] : memref<8192x32xf32, #tpu.memory_space<vmem_shared>> -> memref<128x32xf32, #tpu.memory_space<vmem_shared>>
      %dma_wait3A_186 = arith.constant 0 : i32
      %dma_wait3A_187 = tpu.memref_slice %arg21[%add3A_156, %dma_wait3A_186] : memref<8192x32xf32, #tpu.memory_space<vmem_shared>> -> memref<128x32xf32, #tpu.memory_space<vmem_shared>>
      tpu.wait_dma2 semaphore(%run_scoped3A_179 : memref<!tpu.dma_semaphore, #tpu.memory_space<semaphore_mem>>) src(%dma_wait3A_187 : memref<128x32xf32, #tpu.memory_space<vmem_shared>>) dst(%arg12 : memref<128x32xf32, #tpu.memory_space<vmem>>)
      tpu.yield
    }) : () -> ()
    %mul3A_157 = arith.constant 512 : i32
    %mul3A_158 = arith.muli %add3A, %mul3A_157 : i32
    %add3A_159 = arith.constant 0 : i32
    %add3A_160 = arith.addi %mul3A_158, %add3A_159 : i32
    "tpu.region"() ({
      %run_scoped3A_179 = tpu.sem_alloc : memref<!tpu.dma_semaphore, #tpu.memory_space<semaphore_mem>>
      %dma_start3A_180 = arith.constant 0 : i32
      %dma_start3A_181 = tpu.memref_slice %arg8[%add3A_160, %dma_start3A_180] : memref<16384x32xf32, #tpu.memory_space<hbm>> -> memref<128x32xf32, #tpu.memory_space<hbm>>
      %dma_start3A_182 = arith.constant 0 : i32
      %dma_start3A_183 = tpu.memref_slice %arg8[%add3A_160, %dma_start3A_182] : memref<16384x32xf32, #tpu.memory_space<hbm>> -> memref<128x32xf32, #tpu.memory_space<hbm>>
      tpu.enqueue_dma source(%arg12 : memref<128x32xf32, #tpu.memory_space<vmem>>) target(%dma_start3A_183 : memref<128x32xf32, #tpu.memory_space<hbm>>) target_semaphore(%run_scoped3A_179 : memref<!tpu.dma_semaphore, #tpu.memory_space<semaphore_mem>>)
      %dma_wait3A_184 = arith.constant 0 : i32
      %dma_wait3A_185 = tpu.memref_slice %arg8[%add3A_160, %dma_wait3A_184] : memref<16384x32xf32, #tpu.memory_space<hbm>> -> memref<128x32xf32, #tpu.memory_space<hbm>>
      %dma_wait3A_186 = arith.constant 0 : i32
      %dma_wait3A_187 = tpu.memref_slice %arg8[%add3A_160, %dma_wait3A_186] : memref<16384x32xf32, #tpu.memory_space<hbm>> -> memref<128x32xf32, #tpu.memory_space<hbm>>
      tpu.wait_dma2 semaphore(%run_scoped3A_179 : memref<!tpu.dma_semaphore, #tpu.memory_space<semaphore_mem>>) src(%arg12 : memref<128x32xf32, #tpu.memory_space<vmem>>) dst(%dma_wait3A_187 : memref<128x32xf32, #tpu.memory_space<hbm>>)
      tpu.yield
    }) : () -> ()
    %add3A_161 = arith.constant 128 : i32
    %add3A_162 = arith.addi %mul3A_2, %add3A_161 : i32
    "tpu.region"() ({
      %run_scoped3A_179 = tpu.sem_alloc : memref<!tpu.dma_semaphore, #tpu.memory_space<semaphore_mem>>
      %dma_start3A_180 = arith.constant 0 : i32
      %dma_start3A_181 = tpu.memref_slice %arg21[%add3A_162, %dma_start3A_180] : memref<8192x32xf32, #tpu.memory_space<vmem_shared>> -> memref<128x32xf32, #tpu.memory_space<vmem_shared>>
      %dma_start3A_182 = arith.constant 0 : i32
      %dma_start3A_183 = tpu.memref_slice %arg21[%add3A_162, %dma_start3A_182] : memref<8192x32xf32, #tpu.memory_space<vmem_shared>> -> memref<128x32xf32, #tpu.memory_space<vmem_shared>>
      tpu.enqueue_dma source(%dma_start3A_183 : memref<128x32xf32, #tpu.memory_space<vmem_shared>>) target(%arg13 : memref<128x32xf32, #tpu.memory_space<vmem>>) target_semaphore(%run_scoped3A_179 : memref<!tpu.dma_semaphore, #tpu.memory_space<semaphore_mem>>)
      %dma_wait3A_184 = arith.constant 0 : i32
      %dma_wait3A_185 = tpu.memref_slice %arg21[%add3A_162, %dma_wait3A_184] : memref<8192x32xf32, #tpu.memory_space<vmem_shared>> -> memref<128x32xf32, #tpu.memory_space<vmem_shared>>
      %dma_wait3A_186 = arith.constant 0 : i32
      %dma_wait3A_187 = tpu.memref_slice %arg21[%add3A_162, %dma_wait3A_186] : memref<8192x32xf32, #tpu.memory_space<vmem_shared>> -> memref<128x32xf32, #tpu.memory_space<vmem_shared>>
      tpu.wait_dma2 semaphore(%run_scoped3A_179 : memref<!tpu.dma_semaphore, #tpu.memory_space<semaphore_mem>>) src(%dma_wait3A_187 : memref<128x32xf32, #tpu.memory_space<vmem_shared>>) dst(%arg13 : memref<128x32xf32, #tpu.memory_space<vmem>>)
      tpu.yield
    }) : () -> ()
    %mul3A_163 = arith.constant 512 : i32
    %mul3A_164 = arith.muli %add3A, %mul3A_163 : i32
    %add3A_165 = arith.constant 128 : i32
    %add3A_166 = arith.addi %mul3A_164, %add3A_165 : i32
    "tpu.region"() ({
      %run_scoped3A_179 = tpu.sem_alloc : memref<!tpu.dma_semaphore, #tpu.memory_space<semaphore_mem>>
      %dma_start3A_180 = arith.constant 0 : i32
      %dma_start3A_181 = tpu.memref_slice %arg8[%add3A_166, %dma_start3A_180] : memref<16384x32xf32, #tpu.memory_space<hbm>> -> memref<128x32xf32, #tpu.memory_space<hbm>>
      %dma_start3A_182 = arith.constant 0 : i32
      %dma_start3A_183 = tpu.memref_slice %arg8[%add3A_166, %dma_start3A_182] : memref<16384x32xf32, #tpu.memory_space<hbm>> -> memref<128x32xf32, #tpu.memory_space<hbm>>
      tpu.enqueue_dma source(%arg13 : memref<128x32xf32, #tpu.memory_space<vmem>>) target(%dma_start3A_183 : memref<128x32xf32, #tpu.memory_space<hbm>>) target_semaphore(%run_scoped3A_179 : memref<!tpu.dma_semaphore, #tpu.memory_space<semaphore_mem>>)
      %dma_wait3A_184 = arith.constant 0 : i32
      %dma_wait3A_185 = tpu.memref_slice %arg8[%add3A_166, %dma_wait3A_184] : memref<16384x32xf32, #tpu.memory_space<hbm>> -> memref<128x32xf32, #tpu.memory_space<hbm>>
      %dma_wait3A_186 = arith.constant 0 : i32
      %dma_wait3A_187 = tpu.memref_slice %arg8[%add3A_166, %dma_wait3A_186] : memref<16384x32xf32, #tpu.memory_space<hbm>> -> memref<128x32xf32, #tpu.memory_space<hbm>>
      tpu.wait_dma2 semaphore(%run_scoped3A_179 : memref<!tpu.dma_semaphore, #tpu.memory_space<semaphore_mem>>) src(%arg13 : memref<128x32xf32, #tpu.memory_space<vmem>>) dst(%dma_wait3A_187 : memref<128x32xf32, #tpu.memory_space<hbm>>)
      tpu.yield
    }) : () -> ()
    %add3A_167 = arith.constant 256 : i32
    %add3A_168 = arith.addi %mul3A_2, %add3A_167 : i32
    "tpu.region"() ({
      %run_scoped3A_179 = tpu.sem_alloc : memref<!tpu.dma_semaphore, #tpu.memory_space<semaphore_mem>>
      %dma_start3A_180 = arith.constant 0 : i32
      %dma_start3A_181 = tpu.memref_slice %arg21[%add3A_168, %dma_start3A_180] : memref<8192x32xf32, #tpu.memory_space<vmem_shared>> -> memref<128x32xf32, #tpu.memory_space<vmem_shared>>
      %dma_start3A_182 = arith.constant 0 : i32
      %dma_start3A_183 = tpu.memref_slice %arg21[%add3A_168, %dma_start3A_182] : memref<8192x32xf32, #tpu.memory_space<vmem_shared>> -> memref<128x32xf32, #tpu.memory_space<vmem_shared>>
      tpu.enqueue_dma source(%dma_start3A_183 : memref<128x32xf32, #tpu.memory_space<vmem_shared>>) target(%arg14 : memref<128x32xf32, #tpu.memory_space<vmem>>) target_semaphore(%run_scoped3A_179 : memref<!tpu.dma_semaphore, #tpu.memory_space<semaphore_mem>>)
      %dma_wait3A_184 = arith.constant 0 : i32
      %dma_wait3A_185 = tpu.memref_slice %arg21[%add3A_168, %dma_wait3A_184] : memref<8192x32xf32, #tpu.memory_space<vmem_shared>> -> memref<128x32xf32, #tpu.memory_space<vmem_shared>>
      %dma_wait3A_186 = arith.constant 0 : i32
      %dma_wait3A_187 = tpu.memref_slice %arg21[%add3A_168, %dma_wait3A_186] : memref<8192x32xf32, #tpu.memory_space<vmem_shared>> -> memref<128x32xf32, #tpu.memory_space<vmem_shared>>
      tpu.wait_dma2 semaphore(%run_scoped3A_179 : memref<!tpu.dma_semaphore, #tpu.memory_space<semaphore_mem>>) src(%dma_wait3A_187 : memref<128x32xf32, #tpu.memory_space<vmem_shared>>) dst(%arg14 : memref<128x32xf32, #tpu.memory_space<vmem>>)
      tpu.yield
    }) : () -> ()
    %mul3A_169 = arith.constant 512 : i32
    %mul3A_170 = arith.muli %add3A, %mul3A_169 : i32
    %add3A_171 = arith.constant 256 : i32
    %add3A_172 = arith.addi %mul3A_170, %add3A_171 : i32
    "tpu.region"() ({
      %run_scoped3A_179 = tpu.sem_alloc : memref<!tpu.dma_semaphore, #tpu.memory_space<semaphore_mem>>
      %dma_start3A_180 = arith.constant 0 : i32
      %dma_start3A_181 = tpu.memref_slice %arg8[%add3A_172, %dma_start3A_180] : memref<16384x32xf32, #tpu.memory_space<hbm>> -> memref<128x32xf32, #tpu.memory_space<hbm>>
      %dma_start3A_182 = arith.constant 0 : i32
      %dma_start3A_183 = tpu.memref_slice %arg8[%add3A_172, %dma_start3A_182] : memref<16384x32xf32, #tpu.memory_space<hbm>> -> memref<128x32xf32, #tpu.memory_space<hbm>>
      tpu.enqueue_dma source(%arg14 : memref<128x32xf32, #tpu.memory_space<vmem>>) target(%dma_start3A_183 : memref<128x32xf32, #tpu.memory_space<hbm>>) target_semaphore(%run_scoped3A_179 : memref<!tpu.dma_semaphore, #tpu.memory_space<semaphore_mem>>)
      %dma_wait3A_184 = arith.constant 0 : i32
      %dma_wait3A_185 = tpu.memref_slice %arg8[%add3A_172, %dma_wait3A_184] : memref<16384x32xf32, #tpu.memory_space<hbm>> -> memref<128x32xf32, #tpu.memory_space<hbm>>
      %dma_wait3A_186 = arith.constant 0 : i32
      %dma_wait3A_187 = tpu.memref_slice %arg8[%add3A_172, %dma_wait3A_186] : memref<16384x32xf32, #tpu.memory_space<hbm>> -> memref<128x32xf32, #tpu.memory_space<hbm>>
      tpu.wait_dma2 semaphore(%run_scoped3A_179 : memref<!tpu.dma_semaphore, #tpu.memory_space<semaphore_mem>>) src(%arg14 : memref<128x32xf32, #tpu.memory_space<vmem>>) dst(%dma_wait3A_187 : memref<128x32xf32, #tpu.memory_space<hbm>>)
      tpu.yield
    }) : () -> ()
    %add3A_173 = arith.constant 384 : i32
    %add3A_174 = arith.addi %mul3A_2, %add3A_173 : i32
    "tpu.region"() ({
      %run_scoped3A_179 = tpu.sem_alloc : memref<!tpu.dma_semaphore, #tpu.memory_space<semaphore_mem>>
      %dma_start3A_180 = arith.constant 0 : i32
      %dma_start3A_181 = tpu.memref_slice %arg21[%add3A_174, %dma_start3A_180] : memref<8192x32xf32, #tpu.memory_space<vmem_shared>> -> memref<128x32xf32, #tpu.memory_space<vmem_shared>>
      %dma_start3A_182 = arith.constant 0 : i32
      %dma_start3A_183 = tpu.memref_slice %arg21[%add3A_174, %dma_start3A_182] : memref<8192x32xf32, #tpu.memory_space<vmem_shared>> -> memref<128x32xf32, #tpu.memory_space<vmem_shared>>
      tpu.enqueue_dma source(%dma_start3A_183 : memref<128x32xf32, #tpu.memory_space<vmem_shared>>) target(%arg15 : memref<128x32xf32, #tpu.memory_space<vmem>>) target_semaphore(%run_scoped3A_179 : memref<!tpu.dma_semaphore, #tpu.memory_space<semaphore_mem>>)
      %dma_wait3A_184 = arith.constant 0 : i32
      %dma_wait3A_185 = tpu.memref_slice %arg21[%add3A_174, %dma_wait3A_184] : memref<8192x32xf32, #tpu.memory_space<vmem_shared>> -> memref<128x32xf32, #tpu.memory_space<vmem_shared>>
      %dma_wait3A_186 = arith.constant 0 : i32
      %dma_wait3A_187 = tpu.memref_slice %arg21[%add3A_174, %dma_wait3A_186] : memref<8192x32xf32, #tpu.memory_space<vmem_shared>> -> memref<128x32xf32, #tpu.memory_space<vmem_shared>>
      tpu.wait_dma2 semaphore(%run_scoped3A_179 : memref<!tpu.dma_semaphore, #tpu.memory_space<semaphore_mem>>) src(%dma_wait3A_187 : memref<128x32xf32, #tpu.memory_space<vmem_shared>>) dst(%arg15 : memref<128x32xf32, #tpu.memory_space<vmem>>)
      tpu.yield
    }) : () -> ()
    %mul3A_175 = arith.constant 512 : i32
    %mul3A_176 = arith.muli %add3A, %mul3A_175 : i32
    %add3A_177 = arith.constant 384 : i32
    %add3A_178 = arith.addi %mul3A_176, %add3A_177 : i32
    "tpu.region"() ({
      %run_scoped3A_179 = tpu.sem_alloc : memref<!tpu.dma_semaphore, #tpu.memory_space<semaphore_mem>>
      %dma_start3A_180 = arith.constant 0 : i32
      %dma_start3A_181 = tpu.memref_slice %arg8[%add3A_178, %dma_start3A_180] : memref<16384x32xf32, #tpu.memory_space<hbm>> -> memref<128x32xf32, #tpu.memory_space<hbm>>
      %dma_start3A_182 = arith.constant 0 : i32
      %dma_start3A_183 = tpu.memref_slice %arg8[%add3A_178, %dma_start3A_182] : memref<16384x32xf32, #tpu.memory_space<hbm>> -> memref<128x32xf32, #tpu.memory_space<hbm>>
      tpu.enqueue_dma source(%arg15 : memref<128x32xf32, #tpu.memory_space<vmem>>) target(%dma_start3A_183 : memref<128x32xf32, #tpu.memory_space<hbm>>) target_semaphore(%run_scoped3A_179 : memref<!tpu.dma_semaphore, #tpu.memory_space<semaphore_mem>>)
      %dma_wait3A_184 = arith.constant 0 : i32
      %dma_wait3A_185 = tpu.memref_slice %arg8[%add3A_178, %dma_wait3A_184] : memref<16384x32xf32, #tpu.memory_space<hbm>> -> memref<128x32xf32, #tpu.memory_space<hbm>>
      %dma_wait3A_186 = arith.constant 0 : i32
      %dma_wait3A_187 = tpu.memref_slice %arg8[%add3A_178, %dma_wait3A_186] : memref<16384x32xf32, #tpu.memory_space<hbm>> -> memref<128x32xf32, #tpu.memory_space<hbm>>
      tpu.wait_dma2 semaphore(%run_scoped3A_179 : memref<!tpu.dma_semaphore, #tpu.memory_space<semaphore_mem>>) src(%arg15 : memref<128x32xf32, #tpu.memory_space<vmem>>) dst(%dma_wait3A_187 : memref<128x32xf32, #tpu.memory_space<hbm>>)
      tpu.yield
    }) : () -> ()
    return
  }
}

module attributes {stable_mosaic.version = 14 : i64} {
  func.func @_tc_body(%arg0: i32, %arg1: memref<2048x50xi32, #tpu.memory_space<vmem>>, %arg2: memref<2048x32xf32, #tpu.memory_space<vmem>>, %arg3: memref<1x32xf32, #tpu.memory_space<vmem>>, %arg4: memref<2048x32xf32, #tpu.memory_space<vmem>>) attributes {dimension_semantics = [#tpu.dimension_semantics<arbitrary>], iteration_bounds = array<i64: 8>, scalar_prefetch = 0 : i64, scratch_operands = 0 : i64, tpu.core_type = #tpu.core_type<tc>, window_params = [{transform_indices = @transform_0, window_bounds = array<i64: 2048, 50>}, {transform_indices = @transform_1, window_bounds = array<i64: 2048, 32>}, {pipeline_mode = #tpu.pipeline_mode<synchronous>, transform_indices = @transform_2, window_bounds = array<i64: 1, 32>}, {transform_indices = @transform_3, window_bounds = array<i64: 2048, 32>}]} {
    %get3A = arith.constant 0 : index
    %get3A_0 = arith.constant 0 : index
    %get3A_1 = vector.load %arg1[%get3A, %get3A_0] : memref<2048x50xi32, #tpu.memory_space<vmem>>, vector<2048x50xi32>
    %ne3A = arith.constant 0 : i32
    %ne3A_2 = vector.broadcast %ne3A : i32 to vector<2048x50xi32>
    %ne3A_3 = arith.cmpi ne, %get3A_1, %ne3A_2 : vector<2048x50xi32>
    %convert_element_type3A = arith.extui %ne3A_3 : vector<2048x50xi1> to vector<2048x50xi32>
    %convert_element_type3A_4 = arith.sitofp %convert_element_type3A : vector<2048x50xi32> to vector<2048x50xf32>
    %reduce_sum3A = arith.constant dense<0.000000e+00> : vector<2048xf32>
    %reduce_sum3A_5 = vector.multi_reduction <add>, %convert_element_type3A_4, %reduce_sum3A [1] : vector<2048x50xf32> to vector<2048xf32>
    %broadcast_in_dim3A = vector.shape_cast %reduce_sum3A_5 : vector<2048xf32> to vector<2048x1xf32>
    %get3A_6 = arith.constant 0 : index
    %get3A_7 = arith.constant 0 : index
    %get3A_8 = vector.load %arg3[%get3A_6, %get3A_7] : memref<1x32xf32, #tpu.memory_space<vmem>>, vector<1x32xf32>
    %get3A_9 = arith.constant 0 : index
    %get3A_10 = arith.constant 0 : index
    %get3A_11 = vector.load %arg2[%get3A_9, %get3A_10] : memref<2048x32xf32, #tpu.memory_space<vmem>>, vector<2048x32xf32>
    %sub3A = arith.constant 5.000000e+01 : f32
    %sub3A_12 = vector.broadcast %sub3A : f32 to vector<2048x1xf32>
    %sub3A_13 = arith.subf %sub3A_12, %broadcast_in_dim3A : vector<2048x1xf32>
    %mul3A = vector.broadcast %sub3A_13 : vector<2048x1xf32> to vector<2048x32xf32>
    %mul3A_14 = vector.broadcast %get3A_8 : vector<1x32xf32> to vector<2048x32xf32>
    %mul3A_15 = arith.mulf %mul3A, %mul3A_14 : vector<2048x32xf32>
    %sub3A_16 = arith.subf %get3A_11, %mul3A_15 : vector<2048x32xf32>
    %max3A = arith.constant 1.000000e+00 : f32
    %max3A_17 = vector.broadcast %max3A : f32 to vector<2048x1xf32>
    %max3A_18 = arith.maximumf %broadcast_in_dim3A, %max3A_17 : vector<2048x1xf32>
    %div3A = vector.broadcast %max3A_18 : vector<2048x1xf32> to vector<2048x32xf32>
    %div3A_19 = arith.divf %sub3A_16, %div3A : vector<2048x32xf32>
    %gt3A = arith.constant 0.000000e+00 : f32
    %gt3A_20 = vector.broadcast %gt3A : f32 to vector<2048x1xf32>
    %gt3A_21 = arith.cmpf ogt, %broadcast_in_dim3A, %gt3A_20 : vector<2048x1xf32>
    %jit3A = arith.constant 0.000000e+00 : f32
    %broadcast_in_dim3A_22 = vector.shape_cast %gt3A_21 : vector<2048x1xi1> to vector<2048x1xi1>
    %broadcast_in_dim3A_23 = vector.broadcast %broadcast_in_dim3A_22 : vector<2048x1xi1> to vector<2048x32xi1>
    %broadcast_in_dim3A_24 = vector.broadcast %jit3A : f32 to vector<2048x32xf32>
    %select_n3A = arith.select %broadcast_in_dim3A_23, %div3A_19, %broadcast_in_dim3A_24 : vector<2048x32xi1>, vector<2048x32xf32>
    %swap3A = arith.constant 0 : index
    %swap3A_25 = arith.constant 0 : index
    %swap3A_26 = vector.load %arg4[%swap3A, %swap3A_25] : memref<2048x32xf32, #tpu.memory_space<vmem>>, vector<2048x32xf32>
    tpu.vector_store %arg4[%swap3A, %swap3A_25], %select_n3A {strides = array<i32>} : memref<2048x32xf32, #tpu.memory_space<vmem>>, vector<2048x32xf32>,
    return
  }
  func.func @transform_0(%arg0: i32) -> (i32, i32) {
    %c0_i32 = arith.constant 0 : i32
    %c0_i32_0 = arith.constant 0 : i32
    return %arg0, %c0_i32 : i32, i32
  }
  func.func @transform_1(%arg0: i32) -> (i32, i32) {
    %c0_i32 = arith.constant 0 : i32
    %c0_i32_0 = arith.constant 0 : i32
    return %arg0, %c0_i32 : i32, i32
  }
  func.func @transform_2(%arg0: i32) -> (i32, i32) {
    %c0_i32 = arith.constant 0 : i32
    %c0_i32_0 = arith.constant 0 : i32
    %c0_i32_1 = arith.constant 0 : i32
    return %c0_i32, %c0_i32_0 : i32, i32
  }
  func.func @transform_3(%arg0: i32) -> (i32, i32) {
    %c0_i32 = arith.constant 0 : i32
    %c0_i32_0 = arith.constant 0 : i32
    return %arg0, %c0_i32 : i32, i32
  }
}

</mosaic_0001>

<sc_bundles>
// kernel: kernel.4.cloned.1.call-start
scs
__scs_entry_jumppad:
0x0: {  	(pc) =	sbr.rel $0x88, $3  }
0x1: {  	(tag) =	ssettag $0x0;
	lr =	simm.s32 $0x1  }
0x2: {  	[smem:$0x3F9D] =	sst lr;
	_ =	strace $0xD0000000  }
0x3: {  	_ = 	snop  }
0x4: {  	_ = 	snop  }
0x5: {  	_ = 	snop  }
0x6: {  	_ = 	snop  }
0x7: {  	_ = 	snop  }
__scs_overlays_trampoline_lowered:
0x8: {  	[smem:$0x3FAC] =	sst s0  }
0x9: {  	[smem:$0x3FAD] =	sst s1  }
0xa: {  	[smem:$0x3FAE] =	sst s2  }
0xb: {  	[smem:$0x3FAF] =	sst s3  }
0xc: {  	[smem:$0x3FB0] =	sst s4  }
0xd: {  	[smem:$0x3FB1] =	sst s5  }
0xe: {  	[smem:$0x3FB2] =	sst s6  }
0xf: {  	[smem:$0x3FB3] =	sst s7  }
0x10: {  	[smem:$0x3FB4] =	sst s8  }
0x11: {  	[smem:$0x3FB5] =	sst s9;
	s0 =	simm.s32 @!p0 $0x0  }
0x12: {  	s1 =	sld [smem:$0x3F9B];
	s0 =	simm.s32 @p0 $0x1  }
0x13: {  	[smem:$0x3FB6] =	sst s0;
	s0 =	simm.s32 @!p1 $0x0  }
0x14: {  	s2 =	sld [smem:$0x3F9A];
	s0 =	simm.s32 @p1 $0x1  }
0x15: {  	[smem:$0x3FB7] =	sst s0;
	s0 =	simm.s32 @!p2 $0x0  }
0x16: {  	s3 =	sld [smem:$0x3FDB];
	s0 =	simm.s32 @p2 $0x1  }
0x17: {  	s4 =	simm.s32 $0x1BF5;
	[smem:$0x3FB9] =	sst s0  }
0x18: {  	s0 =	sld [smem:$0x3F9C];
	_ =	swait.ge [sflag:s4], $0x0  }
0x19: {  	s7 =	sld [smem:$0x3F9D]  }
0x1a: {  	s8 =	sadd.s32 $0xFFFFE003, lr  }
0x1b: {  	s9 =	sadd.s32 $0xFFFFFEF7, lr;
	s5 =	simm.s32 $0xFFFFFFFF;
	p2 =	slt.u32 s8, $0xFFFFF086  }
0x1c: {  	p1 =	slt.u32 s9, $0xF7A;
	s5 =	simm.s32 @!p2 $0x0  }
0x1d: {  	s5 =	simm.s32 @p1 $0x1;
	p0 =	seq.s32 s7, s2  }
0x1e: {  	s7 =	smul.u32 @!p0 $0xF7A, s2;
	p2 =	seq.s32 @!p0 s5, $0x0  }
0x1f: {  	s9 =	smul.u32 $0xF7A, s1;
	s8 =	simm.s32 @!p0 $0x1BF5;
	p2 =	por !p2, p0  }
0x20: {  	[sflag:s8] =	ssyncset.s32 @!p0 $0xFFFFF086;
	s6 =	sadd.s32 @!p0 s3, s7;
	s7 =	simm.s32 @!p0 $0x108  }
0x21: {  	s3 =	sadd.s32 s3, s9;
	s6 =	sadd.s32 @!p0 $0x88, s6;
	s7 =	simm.s32 @p2 $0x1082  }
0x22: {  	[simem:s7], [sflag:s8] =	dma.local @!p0 [hbm:s6], $0xF7A  }
0x23: {  	s9 =	sor.u32 $0xD0000000, s2;
	s6 =	simm.s32 $0x108;
	_ =	swait.ge @!p0 [sflag:s8], $0x0  }
0x24: {  	s3 =	sadd.s32 $0x88, s3;
	s6 =	simm.s32 @!p1 $0x1082;
	[sflag:s4] =	ssyncset.s32 $0xFFFFF086  }
0x25: {  	[simem:s6], [sflag:s4] =	dma.local [hbm:s3], $0xF7A  }
0x26: {  	[smem:$0x3F9D] =	sst s1;
	(tag) =	ssettag s2;
	_ =	strace s9  }
0x27: {  	s1 =	sld [smem:$0x3FAD]  }
0x28: {  	s2 =	sld [smem:$0x3FAE]  }
0x29: {  	s4 =	sld [smem:$0x3FB0]  }
0x2a: {  	p0 =	seq.s32 s5, $0x0;
	s5 =	sld [smem:$0x3FB1]  }
0x2b: {  	s6 =	sld [smem:$0x3FB2]  }
0x2c: {  	s7 =	sld [smem:$0x3FB3]  }
0x2d: {  	s3 =	simm.s32 $0x108;
	s8 =	sld [smem:$0x3FB4]  }
0x2e: {  	s3 =	simm.s32 @!p0 $0x1082;
	s9 =	sld [smem:$0x3FB5]  }
0x2f: {  	lr =	sadd.s32 s0, s3;
	s0 =	sld [smem:$0x3FAC]  }
0x30: {  	s3 =	sld [smem:$0x3FAF]  }
0x31: {  	[smem:$0x3FB8] =	sst s10  }
0x32: {  	s10 =	sld [smem:$0x3FB6];
	_ =	sdelay $0x3  }
0x33: {  	p0 =	seq.s32 s10, $0x1;
	s10 =	sld [smem:$0x3FB8];
	_ =	sdelay $0x3  }
0x34: {  	[smem:$0x3FB8] =	sst s10  }
0x35: {  	s10 =	sld [smem:$0x3FB7];
	_ =	sdelay $0x3  }
0x36: {  	p1 =	seq.s32 s10, $0x1;
	s10 =	sld [smem:$0x3FB8];
	_ =	sdelay $0x3  }
0x37: {  	[smem:$0x3FB8] =	sst s10  }
0x38: {  	s10 =	sld [smem:$0x3FB9]  }
0x39: {  	_ = 	snop;
	(pc) =	sbr.ind lr, $3  }
0x3a: {  	_ = 	snop  }
0x3b: {  	_ = 	snop  }
0x3c: {  	p2 =	seq.s32 s10, $0x1;
	s10 =	sld [smem:$0x3FB8]  }
0x3d: {  	_ =	shalt  }
0x3e: {  	_ =	shalt  }
0x3f: {  	_ =	shalt  }
0x40: {  	_ =	shalt  }
0x41: {  	_ =	shalt  }
0x42: {  	_ =	shalt  }
0x43: {  	_ =	shalt  }
0x44: {  	_ =	shalt  }
0x45: {  	_ =	shalt  }
0x46: {  	_ =	shalt  }
0x47: {  	_ =	shalt  }
0x48: {  	_ =	shalt  }
0x49: {  	_ =	shalt  }
0x4a: {  	_ =	shalt  }
0x4b: {  	_ =	shalt  }
0x4c: {  	_ =	shalt  }
0x4d: {  	_ =	shalt  }
0x4e: {  	_ =	shalt  }
0x4f: {  	_ =	shalt  }
0x50: {  	_ =	shalt  }
0x51: {  	_ =	shalt  }
0x52: {  	_ =	shalt  }
0x53: {  	_ =	shalt  }
0x54: {  	_ =	shalt  }
0x55: {  	_ =	shalt  }
0x56: {  	_ =	shalt  }
0x57: {  	_ =	shalt  }
0x58: {  	_ =	shalt  }
0x59: {  	_ =	shalt  }
0x5a: {  	_ =	shalt  }
0x5b: {  	_ =	shalt  }
0x5c: {  	_ =	shalt  }
0x5d: {  	_ =	shalt  }
0x5e: {  	_ =	shalt  }
0x5f: {  	_ =	shalt  }
0x60: {  	_ =	shalt  }
0x61: {  	_ =	shalt  }
0x62: {  	_ =	shalt  }
0x63: {  	_ =	shalt  }
0x64: {  	_ =	shalt  }
0x65: {  	_ =	shalt  }
0x66: {  	_ =	shalt  }
0x67: {  	_ =	shalt  }
0x68: {  	_ =	shalt  }
0x69: {  	_ =	shalt  }
0x6a: {  	_ =	shalt  }
0x6b: {  	_ =	shalt  }
0x6c: {  	_ =	shalt  }
0x6d: {  	_ =	shalt  }
0x6e: {  	_ =	shalt  }
0x6f: {  	_ =	shalt  }
0x70: {  	_ =	shalt  }
0x71: {  	_ =	shalt  }
0x72: {  	_ =	shalt  }
0x73: {  	_ =	shalt  }
0x74: {  	_ =	shalt  }
0x75: {  	_ =	shalt  }
0x76: {  	_ =	shalt  }
0x77: {  	_ =	shalt  }
0x78: {  	_ =	shalt  }
0x79: {  	_ =	shalt  }
0x7a: {  	_ =	shalt  }
0x7b: {  	_ =	shalt  }
0x7c: {  	_ =	shalt  }
0x7d: {  	_ =	shalt  }
0x7e: {  	_ =	shalt  }
0x7f: {  	_ =	shalt  }
0x80: {  	_ =	shalt  }
0x81: {  	_ =	shalt  }
0x82: {  	_ =	shalt  }
0x83: {  	_ =	shalt  }
0x84: {  	_ =	shalt  }
0x85: {  	_ =	shalt  }
0x86: {  	_ =	shalt  }
0x87: {  	_ =	shalt  }
.Lfunc_end0:
.L_simem_size_0:
called_computation_lowered:
.L_overlay_start_0:
0x88: {  	s2 =	sld [smem:$0x3FD9]  }
0x89: {  	s3 =	sld [smem:$0x3FFE];
	_ =	sdelay $0x1  }
0x8a: {  	s1 =	srdreg.scid  }
0x8b: {  	s0 =	sand.u32 $0x1, s1  }
0x8c: {  	s14 =	sshll.u32 s0, $0xA;
	s2 =	sadd.s32 s3, s2  }
0x8d: {  	s2 =	sadd.s32 s2, s14  }
0x8e: {  	[smem:$0x3FC4] =	sst s2  }
0x8f: {  	_ = 	snop  }
0x90: {  	s2 =	sld [smem:$0x3FD0];
	_ =	sdelay $0x2  }
0x91: {  	s4 =	simm.s32 $0xA;
	s5 =	simm.s32 $0x10;
	s15 =	sld [smem:$0x3FC9]  }
0x92: {  	[smem:s5], [sflag:s4] =	dma.local [hbm:s2], $0x1  }
0x93: {  	_ =	swait.eq [sflag:s4], $0x1  }
0x94: {  	[sflag:s4] =	ssyncset.done $0x0  }
0x95: {  	s16 =	sld [smem:$0x10];
	[sflag:s4] =	ssyncadd.s32 $0xFFFFFFFF  }
0x96: {  	s17 =	sld [smem:$0x11];
	(tm) =	ssettm $0x1  }
0x97: {  	s18 =	sld [smem:$0x3FFB];
	_ =	sdelay $0x3  }
0x98: {  	_ =	strace s18  }
0x99: {  	s5 =	sld [smem:$0x3FFC];
	_ =	sdelay $0x3  }
0x9a: {  	_ =	strace s5  }
0x9b: {  	s5 =	sld [smem:$0x3FFD];
	_ =	sdelay $0x3  }
0x9c: {  	_ =	strace s5  }
0x9d: {  	_ =	strace $0x8FFFFFFF  }
0x9e: {  	s19 =	sld [smem:$0x3FDB];
	_ =	sdelay $0x1  }
0x9f: {  	s6 =	simm.s32 $_scs_section_size  }
0xa0: {  	s7 =	simm.s32 $_size__tile_overlayer_lowered;
	s8 =	simm.s32 $_tile_overlayer_lowered  }
0xa1: {  	s22 =	simm.s32 $0x1BFF;
	s21 =	sshll.u32 s8, $0x1;
	s5 =	sadd.s32 s6, s19  }
0xa2: {  	s9 =	simm.s32 $0x0;
	s20 =	sshll.u32 s7, $0x1;
	s7 =	sadd.s32 s21, s5  }
0xa3: {  	[timem:s9], [sflag:s22] =	dma.local [hbm:s7], s20  }
0xa4: {  	_ =	swait.ge [sflag:s22], s20  }
0xa5: {  	s6 =	ssub.s32 $0x0, s20;
	[sflag:s22] =	ssyncset.done $0x0  }
0xa6: {  	[sflag:s22] =	ssyncadd.s32 s6;
	_ =	sdelay $0x1  }
0xa7: {  	s23 =	simm.s32 $0x1B8B  }
0xa8: {  	_ =	swait.ge [sflag:s23], $0x1  }
0xa9: {  	[sflag:s23] =	ssyncset.done $0x0  }
0xaa: {  	s25 =	simm.s32 $0x1B8E;
	s24 =	sld [smem:$0x3FFE];
	[sflag:s23] =	ssyncadd.s32 $0xFFFFFFFF  }
0xab: {  	s26 =	simm.s32 $execute0_lowered;
	[smem:$0x3FD2] =	sst s25  }
0xac: {  	s7 =	sshll.u32 s26, $0x1;
	_ =	strace $0x80000046;
	[dreg:$0x1] =	wrdreg $0xFFFFFFFF  }
0xad: {  	s28 =	simm.s32 $_size_execute0_lowered;
	s5 =	sadd.s32 s5, s7;
	[dreg:$0x0] =	wrdreg $0x0  }
0xae: {  	s7 =	sshll.u32 s28, $0x1;
	[dreg:$0x2] =	wrdreg s5  }
0xaf: {  	[dreg:$0x3] =	wrdreg s7  }
0xb0: {  	[dreg:$0x4] =	wrdreg $0xC0  }
0xb1: {  	_ =	task [dreg:s9], $0x5FFFF  }
0xb2: {  	[dreg:$0x1] =	wrdreg $0xFFFFFFFF  }
0xb3: {  	[dreg:$0x0] =	wrdreg $0x60  }
0xb4: {  	[dreg:$0x2] =	wrdreg s15  }
0xb5: {  	[dreg:$0x3] =	wrdreg s24  }
0xb6: {  	[dreg:$0x4] =	wrdreg s16  }
0xb7: {  	[dreg:$0x5] =	wrdreg s17  }
0xb8: {  	[dreg:$0x6] =	wrdreg $0x15A000  }
0xb9: {  	[dreg:$0x7] =	wrdreg $0x9  }
0xba: {  	_ =	task.clear_ibuf [dreg:s9], $0x8FFFF;
	_ =	strace $0x90000046  }
0xbb: {  	s29 =	simm.s32 $0x9;
	_ =	strace $0x80000048  }
0xbc: {  	_ =	swait.ge [sflag:s29], $0x1  }
0xbd: {  	[sflag:s29] =	ssyncadd.s32 $0xFFFFFFFF  }
0xbe: {  	_ =	strace $0x90000048  }
0xbf: {  	_ =	sfence  }
0xc0: {  	s30 =	sld [smem:$0x0];
	_ =	sdelay $0x2  }
0xc1: {  	s31 =	sshll.u32 s1, $0xD;
	s1 =	sshrl.u32 s1, $0x2  }
0xc2: {  	s3 =	sand.u32 $0x4000, s31;
	s1 =	sadd.s32 s1, s30  }
0xc3: {  	s0 =	sor.u32 s3, s0;
	s1 =	sshll.u32 s1, $0x11  }
0xc4: {  	s0 =	sor.u32 s1, s0  }
0xc5: {  	s0 =	sadd.s32 $0x8F2B, s0  }
0xc6: {  	[sflag:s0] =	ssyncadd.remote.s32 $0x1  }
0xc7: {  	_ =	sfence.sel $0xFFFF  }
0xc8: {  	[dreg:$0x0] =	wrdreg $0xFFFFFFFF;
	(pc) =	sbr.abs _section_cstart, $3  }
0xc9: {  	[dreg:$0x1] =	wrdreg $0xFFFFFFFF  }
0xca: {  	_ =	task.clear_ibuf [dreg:s9], $0x2FFFF;
	_ =	strace $0x9FFFFFFF  }
0xcb: {  	(tm) =	ssettm $0x7FFFFFFF  }
tec
execute0_lowered:
.L_overlay_start_1:
0x0: {  	(tag) =	ssettag $0x1  }
0x1: {  	s0 =	rddreg [dreg:$0x0]  }
0x2: {  	s1 =	rddreg [dreg:$0x1]  }
0x3: {  	s6 =	rddreg [dreg:$0x2]  }
0x4: {  	s2 =	srdreg.scid;
	s8 =	rddreg [dreg:$0x3]  }
0x5: {  	s12 =	stileid.u32;
	s28 =	simm.s32 $0xCA00;
	s30 =	simm.s32 $0x1  }
0x6: {  	s13 =	simm.s32 $0x12A00;
	s7 =	sand.u32 $0x1, s2;
	s2 =	rddreg [dreg:$0x4]  }
0x7: {  	s5 =	sadd.s32 $0xFB5200, s1;
	s3 =	sshll.u32 s7, $0x4;
	s14 =	ssub.s32 $0x2, s7  }
0x8: {  	s9 =	sor.u32 s12, s3;
	s3 =	simm.s32 $0x0;
	s7 =	sshrl.u32 s14, $0x1  }
0x9: {  	s12 =	sshll.u32 s12, $0xE;
	s4 =	smul.u32 $0xC80, s9;
	[smem:$0x7FF] =	sst s3  }
0xa: {  	s11 =	sshll.u32 s9, $0x6;
	s17 =	sshll.u32 s9, $0xB;
	_ =	strace $0x80000047  }
0xb: {  	s0 =	sadd.s32 s0, s11;
	s9 =	sadd.s32 s6, s17;
	s20 =	sor.u32 $0x200, s17  }
0xc: {  	s21 =	sor.u32 $0x400, s17;
	s24 =	sor.u32 $0x600, s17;
	s11 =	simm.s32 $0x200  }
0xd: {  	s10 =	sadd.s32 s4, s1;
	s4 =	sadd.s32 $0x22C8000, s1;
	[dreg:$0x6] =	wrdreg s0  }
0xe: {  	s1 =	ssub.s32 s14, s7;
	s7 =	sadd.s32 s12, s2;
	[dreg:$0xa] =	wrdreg s9  }
0xf: {  	s22 =	sadd.s32 s6, s20;
	s23 =	sadd.s32 s6, s21;
	s6 =	sadd.s32 s6, s24  }
0x10: {  	s0 =	sadd.s32 s8, s17;
	s25 =	sadd.s32 s8, s20;
	s26 =	sadd.s32 s8, s21  }
0x11: {  	s29 =	sadd.s32 s8, s24;
	s8 =	simm.s32 $0x6600;
	[dreg:$0xb] =	wrdreg s22  }
0x12: {  	s20 =	simm.s32 $0xDA00;
	s21 =	simm.s32 $0xFA00;
	[dreg:$0xc] =	wrdreg s23  }
0x13: {  	s9 =	simm.s32 $0x10A00;
	s14 =	simm.s32 $0x13A00;
	[dreg:$0xd] =	wrdreg s6  }
0x14: {  	s17 =	simm.s32 $0x8;
	s15 =	sadd.s32 $0x59E00, s10;
	[dreg:$0xe] =	wrdreg s0  }
0x15: {  	s16 =	sadd.s32 $0xE00, s10;
	s12 =	sadd.s32 $0x1000, s7;
	[dreg:$0xf] =	wrdreg s25  }
0x16: {  	s18 =	sadd.s32 $0x2000, s7;
	s19 =	sadd.s32 $0x3000, s7;
	[dreg:$0x10] =	wrdreg s26  }
.Ltmp0:
0x17: {  	[dreg:$0x11] =	wrdreg s29;
	s31 =	smax.u32 s1, $0x1;
	(pc) =	sbr.rel .LBB2_1-.Ltmp0, $4  }
0x18: {  	s22 =	simm.s32 $0x9;
	s25 =	simm.s32 $0x14A00;
	[dreg:$0x7] =	wrdreg s15  }
0x19: {  	s26 =	simm.s32 $0x80;
	s1 =	simm.s32 $0xEA00;
	[dreg:$0x8] =	wrdreg s16  }
0x1a: {  	s6 =	simm.s32 $0x3;
	s23 =	simm.s32 $0x0;
	[dreg:$0x12] =	wrdreg s31  }
0x1b: {  	v0 =	vimm.f32 $0.0e+00;
	s15 =	simm.s32 $0x5;
	s16 =	simm.s32 $0x7;
	[dreg:$0x9] =	wrdreg s19  }
.LBB2_6:
0x1c: {  	_ =	swait.ge [sflag:s17], $0x1000  }
0x1d: {  	[sflag:s17] =	ssyncset.done $0x0  }
0x1e: {  	[sflag:s17] =	ssyncadd.s32 $0xFFFFF000  }
0x1f: {  	[spmem:s2] =	stream.indirect.scatter.add.f32 [tilespmem:s14], [sflag:$0x9], $0x20, s0, s26, $0xb8;
	[tilespmem:$0x19A00] =	vst v63  }
0x20: {  	_ =	swait.ge [sflag:s22], $0x1000  }
0x21: {  	[sflag:s22] =	ssyncset.done $0x0  }
0x22: {  	s8 =	simm.s32 $0x6600;
	[sflag:s22] =	ssyncadd.s32 $0xFFFFF000  }
0x23: {  	[spmem:s2] =	stream.indirect.scatter.add.f32 [tilespmem:s25], [sflag:$0x9], $0x20, s8, s26, $0xb8;
	[tilespmem:$0x19A00] =	vst v63  }
0x24: {  	_ =	swait.ge [sflag:s22], $0x1000  }
0x25: {  	[sflag:s22] =	ssyncset.done $0x0  }
0x26: {  	[sflag:s22] =	ssyncadd.s32 $0xFFFFF000  }
0x27: {  	[spmem:s2] =	stream.indirect.scatter.add.f32 [tilespmem:s25], [sflag:$0x9], $0x20, s8, s26, $0xb8;
	[tilespmem:$0x19A00] =	vst v63  }
0x28: {  	_ =	swait.ge [sflag:s22], $0x1000  }
0x29: {  	[sflag:s22] =	ssyncset.done $0x0  }
0x2a: {  	[sflag:s22] =	ssyncadd.s32 $0xFFFFF000  }
0x2b: {  	[spmem:s2] =	stream.indirect.scatter.add.f32 [tilespmem:s25], [sflag:$0x9], $0x20, s8, s26, $0xb8;
	[tilespmem:$0x19A00] =	vst v63  }
0x2c: {  	_ =	swait.ge [sflag:s22], $0x1000  }
0x2d: {  	[sflag:s22] =	ssyncset.done $0x0  }
0x2e: {  	[sflag:s22] =	ssyncadd.s32 $0xFFFFF000  }
0x2f: {  	[tilespmem:s28], [sflag:$0x9] =	stream.linear.gather [spmem:s24], $0x1000, $0x38;
	[tilespmem:$0x19A00] =	vst v63  }
0x30: {  	_ =	swait.ge [sflag:s22], $0x1000  }
0x31: {  	[sflag:s22] =	ssyncset.done $0x0  }
0x32: {  	s20 =	rddreg [dreg:$0xe];
	[sflag:s22] =	ssyncadd.s32 $0xFFFFF000  }
0x33: {  	[hbm4b:s20+s3] =	stream.linear.scatter [tilespmem:s28], [sflag:$0x9], $0x1000, $0x38;
	[tilespmem:$0x19A00] =	vst v63  }
0x34: {  	_ =	swait.ge [sflag:s22], $0x1000  }
0x35: {  	[sflag:s22] =	ssyncset.done $0x0  }
0x36: {  	s20 =	simm.s32 $0xDA00;
	[sflag:s22] =	ssyncadd.s32 $0xFFFFF000  }
0x37: {  	[tilespmem:s20], [sflag:$0x9] =	stream.linear.gather [spmem:s29], $0x1000, $0x38;
	[tilespmem:$0x19A00] =	vst v63  }
0x38: {  	_ =	swait.ge [sflag:s22], $0x1000  }
0x39: {  	[sflag:s22] =	ssyncset.done $0x0  }
0x3a: {  	s21 =	rddreg [dreg:$0xf];
	[sflag:s22] =	ssyncadd.s32 $0xFFFFF000  }
0x3b: {  	[hbm4b:s21+s3] =	stream.linear.scatter [tilespmem:s20], [sflag:$0x9], $0x1000, $0x38;
	[tilespmem:$0x19A00] =	vst v63  }
0x3c: {  	_ =	swait.ge [sflag:s22], $0x1000  }
0x3d: {  	[sflag:s22] =	ssyncset.done $0x0  }
0x3e: {  	[sflag:s22] =	ssyncadd.s32 $0xFFFFF000  }
0x3f: {  	[tilespmem:s1], [sflag:$0x9] =	stream.linear.gather [spmem:s31], $0x1000, $0x38;
	[tilespmem:$0x19A00] =	vst v63  }
0x40: {  	_ =	swait.ge [sflag:s22], $0x1000  }
0x41: {  	[sflag:s22] =	ssyncset.done $0x0  }
0x42: {  	s7 =	smov.u32 s24;
	s24 =	rddreg [dreg:$0x10];
	[sflag:s22] =	ssyncadd.s32 $0xFFFFF000  }
0x43: {  	[hbm4b:s24+s3] =	stream.linear.scatter [tilespmem:s1], [sflag:$0x9], $0x1000, $0x38;
	[tilespmem:$0x19A00] =	vst v63  }
0x44: {  	_ =	swait.ge [sflag:s22], $0x1000  }
0x45: {  	[sflag:s22] =	ssyncset.done $0x0  }
0x46: {  	s21 =	simm.s32 $0xFA00;
	s19 =	rddreg [dreg:$0x9];
	[sflag:s22] =	ssyncadd.s32 $0xFFFFF000  }
0x47: {  	[tilespmem:s21], [sflag:$0x9] =	stream.linear.gather [spmem:s19], $0x1000, $0x38;
	[tilespmem:$0x19A00] =	vst v63  }
0x48: {  	_ =	swait.ge [sflag:s22], $0x1000  }
0x49: {  	[sflag:s22] =	ssyncset.done $0x0  }
0x4a: {  	s12 =	smov.u32 s29;
	s29 =	rddreg [dreg:$0x11];
	[sflag:s22] =	ssyncadd.s32 $0xFFFFF000  }
0x4b: {  	[hbm4b:s29+s3] =	stream.linear.scatter [tilespmem:s21], [sflag:$0x9], $0x1000, $0x38;
	[tilespmem:$0x19A00] =	vst v63  }
0x4c: {  	_ =	swait.ge [sflag:s22], $0x1000  }
0x4d: {  	s18 =	smov.u32 s31;
	s23 =	sadd.s32 $0x1, s23;
	s31 =	rddreg [dreg:$0x12]  }
0x4e: {  	p0 =	sne.s32 s23, s31  }
.Ltmp1:
0x4f: {  	_ = 	snop;
	(pc) =	sbr.rel @!p0 .LBB2_7-.Ltmp1, $3  }
0x50: {  	_ =	sdelay $0x1  }
0x51: {  	[sflag:s22] =	ssyncset.done $0x0  }
0x52: {  	s11 =	simm.s32 $0x200;
	[sflag:s22] =	ssyncadd.s32 $0xFFFFF000  }
.LBB2_1:
0x53: {  	s0 =	rddreg [dreg:$0x6]  }
0x54: {  	[tilespmem:s3], [sflag:$0x9] =	stream.linear.gather [hbm4b:s0+s3], $0x200, $0x38;
	[tilespmem:$0x19A00] =	vst v63  }
0x55: {  	_ =	swait.ge [sflag:s22], $0x200  }
0x56: {  	[sflag:s22] =	ssyncset.done $0x0  }
0x57: {  	s29 =	rddreg [dreg:$0x7];
	[sflag:s22] =	ssyncadd.s32 $0xFFFFFE00  }
0x58: {  	[tilespmem:s11], [sflag:$0x9] =	stream.linear.gather [hbm4b:s29+s3], $0x6400, $0x38;
	[tilespmem:$0x19A00] =	vst v63  }
0x59: {  	_ =	swait.ge [sflag:s22], $0x6400  }
0x5a: {  	[sflag:s22] =	ssyncset.done $0x0  }
0x5b: {  	s31 =	rddreg [dreg:$0x8];
	[sflag:s22] =	ssyncadd.s32 $0xFFFF9C00  }
0x5c: {  	[tilespmem:s8], [sflag:$0x9] =	stream.linear.gather [hbm4b:s31+s3], $0x6400, $0x38;
	[tilespmem:$0x19A00] =	vst v63  }
0x5d: {  	_ =	swait.ge [sflag:s22], $0x6400  }
0x5e: {  	[sflag:s22] =	ssyncset.done $0x0  }
0x5f: {  	s0 =	simm.s32 $0x80;
	s8 =	simm.s32 $0x0;
	[sflag:s22] =	ssyncadd.s32 $0xFFFF9C00  }
.LBB2_2:
0x60: {  	p0 =	sne.s32 s0, $0x3F80;
	[tilespmem:s8+$0x14A00] =	vst v0;
	s10 =	smov.u32 s0;
	s0 =	sadd.s32 $0x80, s0  }
.Ltmp2:
0x61: {  	[tilespmem:s8+$0x14A10] =	vst v0;
	(pc) =	sbr.rel @p0 .LBB2_2-.Ltmp2, $2  }
0x62: {  	_ =	sdelay $0x2  }
0x63: {  	s8 =	sshra.s32 s10, $0x2  }
0x64: {  	[tilespmem:s8+$0x14A00] =	vst v0  }
0x65: {  	[tilespmem:s8+$0x14A10] =	vst v0  }
0x66: {  	[spmem:s7] =	stream.linear.scatter [tilespmem:s25], [sflag:$0x9], $0x1000, $0x38;
	[tilespmem:$0x19A00] =	vst v63  }
0x67: {  	_ =	swait.ge [sflag:s22], $0x1000  }
0x68: {  	[sflag:s22] =	ssyncset.done $0x0  }
0x69: {  	[sflag:s22] =	ssyncadd.s32 $0xFFFFF000  }
0x6a: {  	[spmem:s12] =	stream.linear.scatter [tilespmem:s25], [sflag:$0x9], $0x1000, $0x38;
	[tilespmem:$0x19A00] =	vst v63  }
0x6b: {  	_ =	swait.ge [sflag:s22], $0x1000  }
0x6c: {  	[sflag:s22] =	ssyncset.done $0x0  }
0x6d: {  	[sflag:s22] =	ssyncadd.s32 $0xFFFFF000  }
0x6e: {  	[spmem:s18] =	stream.linear.scatter [tilespmem:s25], [sflag:$0x9], $0x1000, $0x38;
	[tilespmem:$0x19A00] =	vst v63  }
0x6f: {  	_ =	swait.ge [sflag:s22], $0x1000  }
0x70: {  	[sflag:s22] =	ssyncset.done $0x0  }
0x71: {  	[sflag:s22] =	ssyncadd.s32 $0xFFFFF000  }
0x72: {  	[spmem:s19] =	stream.linear.scatter [tilespmem:s25], [sflag:$0x9], $0x1000, $0x38;
	[tilespmem:$0x19A00] =	vst v63  }
0x73: {  	_ =	swait.ge [sflag:s22], $0x1000  }
0x74: {  	[sflag:s22] =	ssyncset.done $0x0  }
0x75: {  	s31 =	smov.u32 s18;
	s18 =	simm.s32 $0x0;
	[sflag:s22] =	ssyncadd.s32 $0xFFFFF000  }
0x76: {  	[tilespmem:s28], [sflag:$0x1] =	stream.indirect.gather [hbm4b:s4+s26], $0x20, s18, s26, $0xb8;
	[tilespmem:$0x19A00] =	vst v63  }
0x77: {  	_ = 	snop  }
0x78: {  	[tilespmem:s20], [sflag:$0x2] =	stream.indirect.gather [hbm4b:s4+s26], $0x20, s26, s26, $0xb8;
	[tilespmem:$0x19A00] =	vst v63  }
0x79: {  	_ =	swait.ge [sflag:s30], $0x1000  }
0x7a: {  	[sflag:s30] =	ssyncset.done $0x0  }
0x7b: {  	s0 =	rddreg [dreg:$0xa];
	[sflag:s30] =	ssyncadd.s32 $0xFFFFF000  }
0x7c: {  	[hbm4b:s0+s18] =	stream.linear.scatter [tilespmem:s28], [sflag:$0x9], $0x1000, $0x38;
	[tilespmem:$0x19A00] =	vst v63  }
0x7d: {  	_ =	swait.ge [sflag:s22], $0x1000  }
0x7e: {  	s29 =	smov.u32 s12;
	[sflag:s22] =	ssyncset.done $0x0  }
0x7f: {  	s12 =	simm.s32 $0x100;
	s19 =	simm.s32 $0x2;
	[sflag:s22] =	ssyncadd.s32 $0xFFFFF000  }
0x80: {  	[tilespmem:s1], [sflag:$0x3] =	stream.indirect.gather [hbm4b:s4+s26], $0x20, s12, s26, $0xb8;
	[tilespmem:$0x19A00] =	vst v63  }
0x81: {  	_ =	swait.ge [sflag:s19], $0x1000  }
0x82: {  	[sflag:s19] =	ssyncset.done $0x0  }
0x83: {  	s24 =	smov.u32 s7;
	s7 =	rddreg [dreg:$0xb];
	[sflag:s19] =	ssyncadd.s32 $0xFFFFF000  }
0x84: {  	[hbm4b:s7+s18] =	stream.linear.scatter [tilespmem:s20], [sflag:$0x9], $0x1000, $0x38;
	[tilespmem:$0x19A00] =	vst v63  }
0x85: {  	_ =	swait.ge [sflag:s22], $0x1000  }
0x86: {  	[sflag:s22] =	ssyncset.done $0x0  }
0x87: {  	s8 =	simm.s32 $0x180;
	[sflag:s22] =	ssyncadd.s32 $0xFFFFF000  }
0x88: {  	[tilespmem:s21], [sflag:$0x4] =	stream.indirect.gather [hbm4b:s4+s26], $0x20, s8, s26, $0xb8;
	[tilespmem:$0x19A00] =	vst v63  }
0x89: {  	_ =	swait.ge [sflag:s6], $0x1000  }
0x8a: {  	[sflag:s6] =	ssyncset.done $0x0  }
0x8b: {  	s10 =	rddreg [dreg:$0xc];
	[sflag:s6] =	ssyncadd.s32 $0xFFFFF000  }
0x8c: {  	[hbm4b:s10+s18] =	stream.linear.scatter [tilespmem:s1], [sflag:$0x9], $0x1000, $0x38;
	[tilespmem:$0x19A00] =	vst v63  }
0x8d: {  	_ =	swait.ge [sflag:s22], $0x1000  }
0x8e: {  	[sflag:s22] =	ssyncset.done $0x0  }
0x8f: {  	s12 =	simm.s32 $0x4;
	[sflag:s22] =	ssyncadd.s32 $0xFFFFF000  }
0x90: {  	_ =	swait.ge [sflag:s12], $0x1000  }
0x91: {  	[sflag:s12] =	ssyncset.done $0x0  }
0x92: {  	s19 =	rddreg [dreg:$0xd];
	[sflag:s12] =	ssyncadd.s32 $0xFFFFF000  }
0x93: {  	[hbm4b:s19+s18] =	stream.linear.scatter [tilespmem:s21], [sflag:$0x9], $0x1000, $0x38;
	[tilespmem:$0x19A00] =	vst v63  }
0x94: {  	_ =	swait.ge [sflag:s22], $0x1000  }
0x95: {  	[sflag:s22] =	ssyncset.done $0x0  }
0x96: {  	[sflag:s22] =	ssyncadd.s32 $0xFFFFF000  }
0x97: {  	[tilespmem:s28], [sflag:$0x1] =	stream.indirect.gather [hbm4b:s5+s26], $0x20, s11, s26, $0xb8;
	[tilespmem:$0x19A00] =	vst v63  }
0x98: {  	s7 =	simm.s32 $0x280  }
0x99: {  	[tilespmem:s20], [sflag:$0x2] =	stream.indirect.gather [hbm4b:s5+s26], $0x20, s7, s26, $0xb8;
	[tilespmem:$0x19A00] =	vst v63  }
0x9a: {  	s8 =	simm.s32 $0x300  }
0x9b: {  	[tilespmem:s1], [sflag:$0x3] =	stream.indirect.gather [hbm4b:s5+s26], $0x20, s8, s26, $0xb8;
	[tilespmem:$0x19A00] =	vst v63  }
0x9c: {  	s10 =	simm.s32 $0x380  }
0x9d: {  	[tilespmem:s21], [sflag:$0x4] =	stream.indirect.gather [hbm4b:s5+s26], $0x20, s10, s26, $0xb8;
	[tilespmem:$0x19A00] =	vst v63  }
0x9e: {  	s11 =	simm.s32 $0x400  }
0x9f: {  	[tilespmem:s9], [sflag:$0x5] =	stream.indirect.gather [hbm4b:s5+s26], $0x20, s11, s26, $0xb8;
	[tilespmem:$0x19A00] =	vst v63  }
0xa0: {  	s12 =	simm.s32 $0x480;
	s19 =	simm.s32 $0x11A00  }
0xa1: {  	[tilespmem:s19], [sflag:$0x6] =	stream.indirect.gather [hbm4b:s5+s26], $0x20, s12, s26, $0xb8;
	[tilespmem:$0x19A00] =	vst v63  }
0xa2: {  	s20 =	simm.s32 $0x500  }
0xa3: {  	[tilespmem:s13], [sflag:$0x7] =	stream.indirect.gather [hbm4b:s5+s26], $0x20, s20, s26, $0xb8;
	[tilespmem:$0x19A00] =	vst v63  }
0xa4: {  	s21 =	simm.s32 $0x580  }
0xa5: {  	[tilespmem:s14], [sflag:$0x8] =	stream.indirect.gather [hbm4b:s5+s26], $0x20, s21, s26, $0xb8;
	[tilespmem:$0x19A00] =	vst v63  }
.LBB2_4:
0xa6: {  	_ =	swait.ge [sflag:s30], $0x1000  }
0xa7: {  	s19 =	sshra.s32 s18, $0x2;
	[sflag:s30] =	ssyncset.done $0x0  }
0xa8: {  	s0 =	sadd.s32 $0x6600, s19;
	[sflag:s30] =	ssyncadd.s32 $0xFFFFF000  }
0xa9: {  	[spmem:s2] =	stream.indirect.scatter.add.f32 [tilespmem:s28], [sflag:$0x9], $0x20, s0, s26, $0xb8;
	[tilespmem:$0x19A00] =	vst v63  }
0xaa: {  	_ =	swait.ge [sflag:s22], $0x1000  }
0xab: {  	p0 =	seq.s32 s18, $0x18000;
	[sflag:s22] =	ssyncset.done $0x0  }
0xac: {  	s0 =	simm.s32 @p0 $0x2;
	[sflag:s22] =	ssyncadd.s32 $0xFFFFF000  }
0xad: {  	_ =	swait.ge @p0 [sflag:s0], $0x1000  }
0xae: {  	[sflag:s0] =	ssyncset.done @p0 $0x0  }
0xaf: {  	[sflag:s0] =	ssyncadd.s32 @p0 $0xFFFFF000;
	s0 =	sshra.s32 @p0 s18, $0x2  }
0xb0: {  	s8 =	simm.s32 @p0 $0x80;
	s11 =	simm.s32 @p0 $0xDA00;
	s10 =	sadd.s32 @p0 $0x6680, s0  }
0xb1: {  	[spmem:s2] =	stream.indirect.scatter.add.f32 @p0 [tilespmem:s11], [sflag:$0x9], $0x20, s10, s8, $0xb8;
	[tilespmem:$0x19A00] =	vst v63  }
0xb2: {  	s10 =	simm.s32 @p0 $0x9  }
0xb3: {  	_ =	swait.ge @p0 [sflag:s10], $0x1000  }
0xb4: {  	s20 =	sshra.s32 @!p0 s18, $0x2;
	s21 =	simm.s32 @!p0 $0x80;
	[sflag:s10] =	ssyncset.done @p0 $0x0  }
0xb5: {  	s12 =	simm.s32 @!p0 $0xCA00;
	s11 =	sadd.s32 @!p0 $0x600, s20;
	[sflag:s10] =	ssyncadd.s32 @p0 $0xFFFFF000  }
0xb6: {  	[tilespmem:s12], [sflag:$0x1] =	stream.indirect.gather @!p0 [hbm4b:s5+s21], $0x20, s11, s21, $0xb8;
	[tilespmem:$0x19A00] =	vst v63  }
0xb7: {  	s11 =	simm.s32 @!p0 $0x2  }
0xb8: {  	_ =	swait.ge @!p0 [sflag:s11], $0x1000  }
0xb9: {  	[sflag:s11] =	ssyncset.done @!p0 $0x0  }
0xba: {  	s12 =	simm.s32 @!p0 $0xDA00;
	[sflag:s11] =	ssyncadd.s32 @!p0 $0xFFFFF000;
	s11 =	sadd.s32 @!p0 $0x6680, s20  }
0xbb: {  	[spmem:s2] =	stream.indirect.scatter.add.f32 @!p0 [tilespmem:s12], [sflag:$0x9], $0x20, s11, s21, $0xb8;
	[tilespmem:$0x19A00] =	vst v63  }
0xbc: {  	s11 =	simm.s32 @!p0 $0x9  }
0xbd: {  	_ =	swait.ge @!p0 [sflag:s11], $0x1000  }
0xbe: {  	[sflag:s11] =	ssyncset.done @!p0 $0x0  }
0xbf: {  	s7 =	sadd.s32 @!p0 $0x680, s20;
	[sflag:s11] =	ssyncadd.s32 @!p0 $0xFFFFF000  }
0xc0: {  	[tilespmem:s12], [sflag:$0x2] =	stream.indirect.gather @!p0 [hbm4b:s5+s21], $0x20, s7, s21, $0xb8;
	[tilespmem:$0x19A00] =	vst v63  }
0xc1: {  	_ =	swait.ge [sflag:s6], $0x1000  }
0xc2: {  	[sflag:s6] =	ssyncset.done $0x0  }
0xc3: {  	s12 =	sadd.s32 $0x6700, s19;
	[sflag:s6] =	ssyncadd.s32 $0xFFFFF000  }
0xc4: {  	[spmem:s2] =	stream.indirect.scatter.add.f32 [tilespmem:s1], [sflag:$0x9], $0x20, s12, s26, $0xb8;
	[tilespmem:$0x19A00] =	vst v63  }
0xc5: {  	_ =	swait.ge [sflag:s22], $0x1000  }
0xc6: {  	[sflag:s22] =	ssyncset.done $0x0  }
0xc7: {  	s7 =	simm.s32 @p0 $0x4;
	[sflag:s22] =	ssyncadd.s32 $0xFFFFF000  }
0xc8: {  	_ =	swait.ge @p0 [sflag:s7], $0x1000  }
0xc9: {  	[sflag:s7] =	ssyncset.done @p0 $0x0  }
0xca: {  	s12 =	simm.s32 @p0 $0xFA00;
	[sflag:s7] =	ssyncadd.s32 @p0 $0xFFFFF000;
	s7 =	sadd.s32 @p0 $0x6780, s0  }
0xcb: {  	[spmem:s2] =	stream.indirect.scatter.add.f32 @p0 [tilespmem:s12], [sflag:$0x9], $0x20, s7, s8, $0xb8;
	[tilespmem:$0x19A00] =	vst v63  }
0xcc: {  	_ =	swait.ge @p0 [sflag:s10], $0x1000  }
0xcd: {  	[sflag:s10] =	ssyncset.done @p0 $0x0  }
0xce: {  	s7 =	sadd.s32 @!p0 $0x700, s20;
	s12 =	simm.s32 @!p0 $0xEA00;
	[sflag:s10] =	ssyncadd.s32 @p0 $0xFFFFF000  }
0xcf: {  	[tilespmem:s12], [sflag:$0x3] =	stream.indirect.gather @!p0 [hbm4b:s5+s21], $0x20, s7, s21, $0xb8;
	[tilespmem:$0x19A00] =	vst v63  }
0xd0: {  	s7 =	simm.s32 @!p0 $0x4  }
0xd1: {  	_ =	swait.ge @!p0 [sflag:s7], $0x1000  }
0xd2: {  	[sflag:s7] =	ssyncset.done @!p0 $0x0  }
0xd3: {  	s12 =	simm.s32 @!p0 $0xFA00;
	[sflag:s7] =	ssyncadd.s32 @!p0 $0xFFFFF000;
	s7 =	sadd.s32 @!p0 $0x6780, s20  }
0xd4: {  	[spmem:s2] =	stream.indirect.scatter.add.f32 @!p0 [tilespmem:s12], [sflag:$0x9], $0x20, s7, s21, $0xb8;
	[tilespmem:$0x19A00] =	vst v63  }
0xd5: {  	_ =	swait.ge @!p0 [sflag:s11], $0x1000  }
0xd6: {  	[sflag:s11] =	ssyncset.done @!p0 $0x0  }
0xd7: {  	s7 =	sadd.s32 @!p0 $0x780, s20;
	[sflag:s11] =	ssyncadd.s32 @!p0 $0xFFFFF000  }
0xd8: {  	[tilespmem:s12], [sflag:$0x4] =	stream.indirect.gather @!p0 [hbm4b:s5+s21], $0x20, s7, s21, $0xb8;
	[tilespmem:$0x19A00] =	vst v63  }
0xd9: {  	_ =	swait.ge [sflag:s15], $0x1000  }
0xda: {  	[sflag:s15] =	ssyncset.done $0x0  }
0xdb: {  	s12 =	sadd.s32 $0x6800, s19;
	[sflag:s15] =	ssyncadd.s32 $0xFFFFF000  }
0xdc: {  	[spmem:s2] =	stream.indirect.scatter.add.f32 [tilespmem:s9], [sflag:$0x9], $0x20, s12, s26, $0xb8;
	[tilespmem:$0x19A00] =	vst v63  }
0xdd: {  	_ =	swait.ge [sflag:s22], $0x1000  }
0xde: {  	[sflag:s22] =	ssyncset.done $0x0  }
0xdf: {  	s7 =	simm.s32 @p0 $0x6;
	[sflag:s22] =	ssyncadd.s32 $0xFFFFF000  }
0xe0: {  	_ =	swait.ge @p0 [sflag:s7], $0x1000  }
0xe1: {  	[sflag:s7] =	ssyncset.done @p0 $0x0  }
0xe2: {  	s0 =	sadd.s32 @p0 $0x6880, s0;
	[sflag:s7] =	ssyncadd.s32 @p0 $0xFFFFF000;
	s7 =	simm.s32 @p0 $0x11A00  }
0xe3: {  	[spmem:s2] =	stream.indirect.scatter.add.f32 @p0 [tilespmem:s7], [sflag:$0x9], $0x20, s0, s8, $0xb8;
	[tilespmem:$0x19A00] =	vst v63  }
0xe4: {  	_ =	swait.ge @p0 [sflag:s10], $0x1000  }
0xe5: {  	[sflag:s10] =	ssyncset.done @p0 $0x0  }
0xe6: {  	s0 =	sadd.s32 @!p0 $0x800, s20;
	s7 =	simm.s32 @!p0 $0x10A00;
	[sflag:s10] =	ssyncadd.s32 @p0 $0xFFFFF000  }
0xe7: {  	[tilespmem:s7], [sflag:$0x5] =	stream.indirect.gather @!p0 [hbm4b:s5+s21], $0x20, s0, s21, $0xb8;
	[tilespmem:$0x19A00] =	vst v63  }
0xe8: {  	s0 =	simm.s32 @!p0 $0x6  }
0xe9: {  	_ =	swait.ge @!p0 [sflag:s0], $0x1000  }
0xea: {  	[sflag:s0] =	ssyncset.done @!p0 $0x0  }
0xeb: {  	s7 =	simm.s32 @!p0 $0x11A00;
	[sflag:s0] =	ssyncadd.s32 @!p0 $0xFFFFF000;
	s0 =	sadd.s32 @!p0 $0x6880, s20  }
0xec: {  	[spmem:s2] =	stream.indirect.scatter.add.f32 @!p0 [tilespmem:s7], [sflag:$0x9], $0x20, s0, s21, $0xb8;
	[tilespmem:$0x19A00] =	vst v63  }
0xed: {  	_ =	swait.ge @!p0 [sflag:s11], $0x1000  }
0xee: {  	[sflag:s11] =	ssyncset.done @!p0 $0x0  }
0xef: {  	s0 =	sadd.s32 @!p0 $0x880, s20;
	[sflag:s11] =	ssyncadd.s32 @!p0 $0xFFFFF000  }
0xf0: {  	[tilespmem:s7], [sflag:$0x6] =	stream.indirect.gather @!p0 [hbm4b:s5+s21], $0x20, s0, s21, $0xb8;
	[tilespmem:$0x19A00] =	vst v63  }
0xf1: {  	_ =	swait.ge [sflag:s16], $0x1000  }
0xf2: {  	[sflag:s16] =	ssyncset.done $0x0  }
.Ltmp3:
0xf3: {  	s21 =	sadd.s32 $0x6900, s19;
	[sflag:s16] =	ssyncadd.s32 $0xFFFFF000;
	(pc) =	sbr.rel @p0 .LBB2_6-.Ltmp3, $4  }
0xf4: {  	[spmem:s2] =	stream.indirect.scatter.add.f32 [tilespmem:s13], [sflag:$0x9], $0x20, s21, s26, $0xb8;
	[tilespmem:$0x19A00] =	vst v63  }
0xf5: {  	_ =	swait.ge [sflag:s22], $0x1000  }
0xf6: {  	[sflag:s22] =	ssyncset.done $0x0  }
0xf7: {  	s0 =	sadd.s32 $0x6980, s19;
	[sflag:s22] =	ssyncadd.s32 $0xFFFFF000  }
0xf8: {  	s7 =	sadd.s32 $0x900, s19  }
0xf9: {  	[tilespmem:s13], [sflag:$0x7] =	stream.indirect.gather [hbm4b:s5+s26], $0x20, s7, s26, $0xb8;
	[tilespmem:$0x19A00] =	vst v63  }
0xfa: {  	_ =	swait.ge [sflag:s17], $0x1000  }
0xfb: {  	[sflag:s17] =	ssyncset.done $0x0  }
0xfc: {  	[sflag:s17] =	ssyncadd.s32 $0xFFFFF000  }
0xfd: {  	[spmem:s2] =	stream.indirect.scatter.add.f32 [tilespmem:s14], [sflag:$0x9], $0x20, s0, s26, $0xb8;
	[tilespmem:$0x19A00] =	vst v63  }
.Ltmp4:
0xfe: {  	_ = 	snop;
	(pc) =	sbr.rel .LBB2_4-.Ltmp4, $4  }
0xff: {  	_ =	swait.ge [sflag:s22], $0x1000  }
0x100: {  	[sflag:s22] =	ssyncset.done $0x0  }
0x101: {  	s21 =	sadd.s32 $0x980, s19;
	s18 =	sadd.s32 $0x1000, s18;
	[sflag:s22] =	ssyncadd.s32 $0xFFFFF000  }
0x102: {  	[tilespmem:s14], [sflag:$0x8] =	stream.indirect.gather [hbm4b:s5+s26], $0x20, s21, s26, $0xb8;
	[tilespmem:$0x19A00] =	vst v63  }
.LBB2_7:
0x103: {  	_ =	sfence.sel $0x180000  }
0x104: {  	[bflag:$0x0] =	sbarrier.arrive $0xFFFF  }
0x105: {  	_ =	strace $0x90000047  }
0x106: {  	s0 =	stileid.u32;
	[bflag:$0x2] =	sbarrier.arrive $0xFFFF  }
0x107: {  	p0 =	sne.s32 s0, $0x0;
	s0 =	rddreg [dreg:$0x5]  }
0x108: {  	s0 =	sadd.s32 @!p0 $0x100000, s0  }
0x109: {  	[sflag:s0] =	ssyncadd.tile.s32 @!p0 $0x1;
	_ =	shalt  }
.Lfunc_end2:
_tile_overlayer_lowered:
.L_overlay_start_2:
0x10a: {  	(tag) =	ssettag $0x2  }
0x10b: {  	s0 =	rddreg [dreg:$0x0];
	s2 =	stileid.u32  }
0x10c: {  	s1 =	rddreg [dreg:$0x1];
	p0 =	sne.s32 s2, $0x0  }
0x10d: {  	s3 =	rddreg [dreg:$0x2];
	[bflag:$0x3] =	sbarrier.arrive $0xFFFF;
	s2 =	simm.s32 @!p0 $0x1C09  }
0x10e: {  	[timem:s3], [sflag:s2] =	dma.local @!p0 [hbm:s0], s1  }
0x10f: {  	s0 =	simm.s32 @!p0 $0x9  }
0x110: {  	_ =	swait.ge @!p0 [sflag:s0], s1  }
0x111: {  	s1 =	ssub.s32 @!p0 $0x0, s1;
	[sflag:s0] =	ssyncset.done @!p0 $0x0  }
0x112: {  	[sflag:s0] =	ssyncadd.s32 @!p0 s1  }
0x113: {  	[bflag:$0x3] =	sbarrier.arrive $0xFFFF  }
0x114: {  	_ =	shalt  }

</sc_bundles>
